<compile_context>
chip_gen: v7x
topology: tpu7x:2x2x1
jax: 0.10.2.dev20260603
libtpu: 0.0.44.dev20260713+nightly
codegen_flags: <defaults>
</compile_context>

<pallas_src>
import functools

import jax
import jax.numpy as jnp
from jax import lax
from jax.experimental import pallas as pl
from jax.experimental.pallas import tpu as pltpu
from jax.experimental.pallas import tpu_sc as plsc

_N = 50000
_F = 3
_T = 32
_S = 32
_NSEG = 128
_SCALE = 500.0

_NB = 2048
_NP = _N
_G = (_NP + _NB - 1) // _NB
_HB = _NSEG * _S
_NLANE = 16
_WEPS = 1e-3


def _encode_kernel(x_ref, b_ref, v_ref, lin_ref, out_ref):
    x_blk = x_ref[...]
    v = v_ref[...]
    nh = lax.dot_general(
        v, x_blk, (((0,), (1,)), ((), ())), preferred_element_type=jnp.float32
    )
    lin = lin_ref[...]
    lin0 = lin[0, 0]
    d = (lin[0, _S - 1] - lin0) / jnp.float32(_S - 1)
    u = (nh - lin0) * (jnp.float32(1.0) / d)
    jf = jnp.floor(u + jnp.float32(0.5))
    jc = jnp.clip(jf, -1.0, jnp.float32(_S))
    w = jax.nn.sigmoid(_SCALE * (lin0 + jc * d - nh))
    w = jnp.clip(w, _WEPS, 1.0 - _WEPS)
    w = jnp.where(jc < 0.0, jnp.float32(1.0 - _WEPS), w)
    jb = jnp.maximum(jc, 0.0)
    seg = b_ref[0]
    idx = seg[None, :].astype(jnp.float32) * jnp.float32(_S) + jb
    nid = pl.program_id(0) * _NB + jax.lax.broadcasted_iota(
        jnp.int32, (_T, _NB), 1
    )
    dead = jnp.logical_or(jc >= jnp.float32(_S), nid >= _N)
    idx = jnp.where(dead, jnp.float32(4 * _HB), idx)
    out_ref[...] = idx + w


def _sc_hist_body(val_hbm, out_hbm, val_v, hist_v, ect_v, sem):
    t = lax.axis_index("s") * 2 + lax.axis_index("c")

    cp = pltpu.async_copy(val_hbm.at[pl.ds(t * _NP, _NP)], val_v, sem)

    def zbody(i, c):
        for u in range(8):
            hist_v[pl.ds((i * 8 + u) * _NLANE, _NLANE)] = jnp.zeros(
                (_NLANE,), jnp.float32
            )
        return c

    lax.fori_loop(0, _HB // (_NLANE * 8), zbody, 0)

    cp.wait()

    _UNROLL = 25

    def ibody(i, carry):
        for u in range(_UNROLL):
            val = val_v[pl.ds((i * _UNROLL + u) * _NLANE, _NLANE)]
            idx = val.astype(jnp.int32)
            w = val - idx.astype(jnp.float32)
            m1 = idx < _HB
            plsc.addupdate_scatter(hist_v, [idx], w, mask=m1)
            m2 = jnp.logical_and(m1, (idx & (_S - 1)) != (_S - 1))
            plsc.addupdate_scatter(hist_v, [idx + 1], 1.0 - w, mask=m2)
        return carry

    lax.fori_loop(0, _NP // (_NLANE * _UNROLL), ibody, 0)

    def rbody(b, carry):
        a0 = hist_v[pl.ds(b * _S, _NLANE)]
        a1 = hist_v[pl.ds(b * _S + _NLANE, _NLANE)]
        c0 = jnp.cumsum(a0)
        c1 = jnp.cumsum(a1) + jnp.sum(a0)
        ect_v[pl.ds(b * _S, _NLANE)] = c0
        ect_v[pl.ds(b * _S + _NLANE, _NLANE)] = c1
        return carry

    lax.fori_loop(0, _NSEG, rbody, 0)
    pltpu.sync_copy(ect_v, out_hbm.at[pl.ds(t * _HB, _HB)])


def kernel(x, batch, v, lin):
    val = pl.pallas_call(
        _encode_kernel,
        grid=(_G,),
        in_specs=[
            pl.BlockSpec((_NB, _F), lambda i: (i, 0)),
            pl.BlockSpec((1, _NB), lambda i: (0, i)),
            pl.BlockSpec((_F, _T), lambda i: (0, 0)),
            pl.BlockSpec((1, _S), lambda i: (0, 0)),
        ],
        out_specs=pl.BlockSpec((_T, _NB), lambda i: (0, i)),
        out_shape=jax.ShapeDtypeStruct((_T, _NP), jnp.float32),
    )(x, batch.reshape(1, _NP), v, lin.reshape(1, _S))

    sc_hist = functools.partial(
        pl.kernel,
        out_type=jax.ShapeDtypeStruct((_T * _HB,), jnp.float32),
        mesh=plsc.VectorSubcoreMesh(core_axis_name="c", subcore_axis_name="s"),
        compiler_params=pltpu.CompilerParams(needs_layout_passes=False),
        scratch_types=[
            pltpu.VMEM((_NP,), jnp.float32),
            pltpu.VMEM((_HB,), jnp.float32),
            pltpu.VMEM((_HB,), jnp.float32),
            pltpu.SemaphoreType.DMA,
        ],
    )(_sc_hist_body)

    ect_tbs = sc_hist(val.reshape(_T * _NP))
    return ect_tbs.reshape(_T, _NSEG, _S).transpose(1, 2, 0)

# --- scband reference (transcript-rebuilt; emitter-appended) ---
"""Pipeline reference for scband-ect-layer-1769526526456 (READ-ONLY COPY).

The authoritative reference and input builder live on the scoring server;
editing this copy changes nothing except your own understanding.
"""

import jax, jax.numpy as jnp
import numpy as np

N = 50000
F = 3
T = 32  # num_thetas
S = 32  # bump_steps
R = 1.1
NUM_SEGMENTS = 128
SCALE = 500.0  # sharpness of differentiable indicator (sigmoid bump), per dect library convention


def setup_inputs(seed: int = 0) -> dict:
    key = jax.random.key(seed)
    k1, k2, k3 = jax.random.split(key, 3)
    x = jax.random.normal(k1, (N, F), dtype=jnp.float32)
    batch = jnp.sort(jax.random.randint(k2, (N,), 0, NUM_SEGMENTS)).astype(jnp.int32)
    # directions v: (num_features, num_thetas), each column normalized over feature axis
    v = jax.random.uniform(k3, (F, T), dtype=jnp.float32) - 0.5
    v = v / jnp.sqrt(jnp.sum(v ** 2, axis=0, keepdims=True))
    lin = jnp.linspace(-R, R, S, dtype=jnp.float32)
    return {"x": x, "batch": batch, "v": v, "lin": lin}


def reference(x, batch, v, lin):
    # node heights along each direction: [N, T]
    nh = x @ v
    # per-node soft indicator contributions: [N, S, T]
    ecc = jax.nn.sigmoid(SCALE * (lin[None, :, None] - nh[:, None, :]))
    # histogram-style segment reduction over graphs in the batch: [B, S, T]
    ect = jax.ops.segment_sum(ecc, batch, num_segments=NUM_SEGMENTS)
    return ect

if __name__ == "__main__":
    import jax
    _d = setup_inputs()
    print(jax.jit(kernel)(*tuple(_d.values())))

</pallas_src>

<mosaic_0001>
#map = affine_map<(d0, d1) -> (0)>
module attributes {stable_mosaic.version = 14 : i64} {
  func.func @_sc_hist_body(%arg0: i32, %arg1: i32, %arg2: memref<1600000xf32, #tpu.memory_space<hbm>>, %arg3: memref<131072xf32, #tpu.memory_space<hbm>>, %arg4: memref<50000xf32, #tpu.memory_space<vmem>>, %arg5: memref<4096xf32, #tpu.memory_space<vmem>>, %arg6: memref<4096xf32, #tpu.memory_space<vmem>>, %arg7: memref<!tpu.dma_semaphore, #tpu.memory_space<semaphore_mem>>) attributes {dimension_semantics = [#tpu.dimension_semantics<core_parallel>, #tpu.dimension_semantics<subcore_parallel>], iteration_bounds = array<i64: 2, 16>, scalar_prefetch = 0 : i64, scratch_operands = 4 : i64, tpu.core_type = #tpu.core_type<sc_vector_subcore>, window_params = [{transform_indices = #map}, {transform_indices = #map}]} {
    %mul3A = arith.constant 2 : i32
    %mul3A_0 = arith.muli %arg1, %mul3A : i32
    %add3A = arith.addi %mul3A_0, %arg0 : i32
    %mul3A_1 = arith.constant 50000 : i32
    %mul3A_2 = arith.muli %add3A, %mul3A_1 : i32
    %dma_start3A = tpu.memref_slice %arg2[%mul3A_2] : memref<1600000xf32, #tpu.memory_space<hbm>> -> memref<50000xf32, #tpu.memory_space<hbm>>
    %dma_start3A_3 = tpu.memref_slice %arg2[%mul3A_2] : memref<1600000xf32, #tpu.memory_space<hbm>> -> memref<50000xf32, #tpu.memory_space<hbm>>
    tpu.enqueue_dma source(%dma_start3A_3 : memref<50000xf32, #tpu.memory_space<hbm>>) target(%arg4 : memref<50000xf32, #tpu.memory_space<vmem>>) target_semaphore(%arg7 : memref<!tpu.dma_semaphore, #tpu.memory_space<semaphore_mem>>)
    %scan3A = arith.constant 0 : i32
    %scan3A_4 = arith.constant 0 : i32
    %scan3A_5 = arith.constant 32 : i32
    %scan3A_6 = arith.addi %scan3A_4, %scan3A_5 : i32
    %scan3A_7 = arith.constant 1 : i32
    scf.for %scan3A_24 = %scan3A_4 to %scan3A_6 step %scan3A_7  : i32 {
      %broadcast_in_dim3A = arith.constant 0.000000e+00 : f32
      %broadcast_in_dim3A_25 = vector.broadcast %broadcast_in_dim3A : f32 to vector<16xf32>
      %mul3A_26 = arith.constant 8 : i32
      %mul3A_27 = arith.muli %scan3A_24, %mul3A_26 : i32
      %add3A_28 = arith.constant 0 : i32
      %add3A_29 = arith.addi %mul3A_27, %add3A_28 : i32
      %mul3A_30 = arith.constant 16 : i32
      %mul3A_31 = arith.muli %add3A_29, %mul3A_30 : i32
      %swap3A = arith.index_cast %mul3A_31 : i32 to index
      %swap3A_32 = tpu.vector_load %arg5[%swap3A] {strides = array<i32>} : memref<4096xf32, #tpu.memory_space<vmem>>, vector<16xf32>,
      tpu.vector_store %arg5[%swap3A], %broadcast_in_dim3A_25 {strides = array<i32>} : memref<4096xf32, #tpu.memory_space<vmem>>, vector<16xf32>,
      %broadcast_in_dim3A_33 = arith.constant 0.000000e+00 : f32
      %broadcast_in_dim3A_34 = vector.broadcast %broadcast_in_dim3A_33 : f32 to vector<16xf32>
      %mul3A_35 = arith.constant 8 : i32
      %mul3A_36 = arith.muli %scan3A_24, %mul3A_35 : i32
      %add3A_37 = arith.constant 1 : i32
      %add3A_38 = arith.addi %mul3A_36, %add3A_37 : i32
      %mul3A_39 = arith.constant 16 : i32
      %mul3A_40 = arith.muli %add3A_38, %mul3A_39 : i32
      %swap3A_41 = arith.index_cast %mul3A_40 : i32 to index
      %swap3A_42 = tpu.vector_load %arg5[%swap3A_41] {strides = array<i32>} : memref<4096xf32, #tpu.memory_space<vmem>>, vector<16xf32>,
      tpu.vector_store %arg5[%swap3A_41], %broadcast_in_dim3A_34 {strides = array<i32>} : memref<4096xf32, #tpu.memory_space<vmem>>, vector<16xf32>,
      %broadcast_in_dim3A_43 = arith.constant 0.000000e+00 : f32
      %broadcast_in_dim3A_44 = vector.broadcast %broadcast_in_dim3A_43 : f32 to vector<16xf32>
      %mul3A_45 = arith.constant 8 : i32
      %mul3A_46 = arith.muli %scan3A_24, %mul3A_45 : i32
      %add3A_47 = arith.constant 2 : i32
      %add3A_48 = arith.addi %mul3A_46, %add3A_47 : i32
      %mul3A_49 = arith.constant 16 : i32
      %mul3A_50 = arith.muli %add3A_48, %mul3A_49 : i32
      %swap3A_51 = arith.index_cast %mul3A_50 : i32 to index
      %swap3A_52 = tpu.vector_load %arg5[%swap3A_51] {strides = array<i32>} : memref<4096xf32, #tpu.memory_space<vmem>>, vector<16xf32>,
      tpu.vector_store %arg5[%swap3A_51], %broadcast_in_dim3A_44 {strides = array<i32>} : memref<4096xf32, #tpu.memory_space<vmem>>, vector<16xf32>,
      %broadcast_in_dim3A_53 = arith.constant 0.000000e+00 : f32
      %broadcast_in_dim3A_54 = vector.broadcast %broadcast_in_dim3A_53 : f32 to vector<16xf32>
      %mul3A_55 = arith.constant 8 : i32
      %mul3A_56 = arith.muli %scan3A_24, %mul3A_55 : i32
      %add3A_57 = arith.constant 3 : i32
      %add3A_58 = arith.addi %mul3A_56, %add3A_57 : i32
      %mul3A_59 = arith.constant 16 : i32
      %mul3A_60 = arith.muli %add3A_58, %mul3A_59 : i32
      %swap3A_61 = arith.index_cast %mul3A_60 : i32 to index
      %swap3A_62 = tpu.vector_load %arg5[%swap3A_61] {strides = array<i32>} : memref<4096xf32, #tpu.memory_space<vmem>>, vector<16xf32>,
      tpu.vector_store %arg5[%swap3A_61], %broadcast_in_dim3A_54 {strides = array<i32>} : memref<4096xf32, #tpu.memory_space<vmem>>, vector<16xf32>,
      %broadcast_in_dim3A_63 = arith.constant 0.000000e+00 : f32
      %broadcast_in_dim3A_64 = vector.broadcast %broadcast_in_dim3A_63 : f32 to vector<16xf32>
      %mul3A_65 = arith.constant 8 : i32
      %mul3A_66 = arith.muli %scan3A_24, %mul3A_65 : i32
      %add3A_67 = arith.constant 4 : i32
      %add3A_68 = arith.addi %mul3A_66, %add3A_67 : i32
      %mul3A_69 = arith.constant 16 : i32
      %mul3A_70 = arith.muli %add3A_68, %mul3A_69 : i32
      %swap3A_71 = arith.index_cast %mul3A_70 : i32 to index
      %swap3A_72 = tpu.vector_load %arg5[%swap3A_71] {strides = array<i32>} : memref<4096xf32, #tpu.memory_space<vmem>>, vector<16xf32>,
      tpu.vector_store %arg5[%swap3A_71], %broadcast_in_dim3A_64 {strides = array<i32>} : memref<4096xf32, #tpu.memory_space<vmem>>, vector<16xf32>,
      %broadcast_in_dim3A_73 = arith.constant 0.000000e+00 : f32
      %broadcast_in_dim3A_74 = vector.broadcast %broadcast_in_dim3A_73 : f32 to vector<16xf32>
      %mul3A_75 = arith.constant 8 : i32
      %mul3A_76 = arith.muli %scan3A_24, %mul3A_75 : i32
      %add3A_77 = arith.constant 5 : i32
      %add3A_78 = arith.addi %mul3A_76, %add3A_77 : i32
      %mul3A_79 = arith.constant 16 : i32
      %mul3A_80 = arith.muli %add3A_78, %mul3A_79 : i32
      %swap3A_81 = arith.index_cast %mul3A_80 : i32 to index
      %swap3A_82 = tpu.vector_load %arg5[%swap3A_81] {strides = array<i32>} : memref<4096xf32, #tpu.memory_space<vmem>>, vector<16xf32>,
      tpu.vector_store %arg5[%swap3A_81], %broadcast_in_dim3A_74 {strides = array<i32>} : memref<4096xf32, #tpu.memory_space<vmem>>, vector<16xf32>,
      %broadcast_in_dim3A_83 = arith.constant 0.000000e+00 : f32
      %broadcast_in_dim3A_84 = vector.broadcast %broadcast_in_dim3A_83 : f32 to vector<16xf32>
      %mul3A_85 = arith.constant 8 : i32
      %mul3A_86 = arith.muli %scan3A_24, %mul3A_85 : i32
      %add3A_87 = arith.constant 6 : i32
      %add3A_88 = arith.addi %mul3A_86, %add3A_87 : i32
      %mul3A_89 = arith.constant 16 : i32
      %mul3A_90 = arith.muli %add3A_88, %mul3A_89 : i32
      %swap3A_91 = arith.index_cast %mul3A_90 : i32 to index
      %swap3A_92 = tpu.vector_load %arg5[%swap3A_91] {strides = array<i32>} : memref<4096xf32, #tpu.memory_space<vmem>>, vector<16xf32>,
      tpu.vector_store %arg5[%swap3A_91], %broadcast_in_dim3A_84 {strides = array<i32>} : memref<4096xf32, #tpu.memory_space<vmem>>, vector<16xf32>,
      %broadcast_in_dim3A_93 = arith.constant 0.000000e+00 : f32
      %broadcast_in_dim3A_94 = vector.broadcast %broadcast_in_dim3A_93 : f32 to vector<16xf32>
      %mul3A_95 = arith.constant 8 : i32
      %mul3A_96 = arith.muli %scan3A_24, %mul3A_95 : i32
      %add3A_97 = arith.constant 7 : i32
      %add3A_98 = arith.addi %mul3A_96, %add3A_97 : i32
      %mul3A_99 = arith.constant 16 : i32
      %mul3A_100 = arith.muli %add3A_98, %mul3A_99 : i32
      %swap3A_101 = arith.index_cast %mul3A_100 : i32 to index
      %swap3A_102 = tpu.vector_load %arg5[%swap3A_101] {strides = array<i32>} : memref<4096xf32, #tpu.memory_space<vmem>>, vector<16xf32>,
      tpu.vector_store %arg5[%swap3A_101], %broadcast_in_dim3A_94 {strides = array<i32>} : memref<4096xf32, #tpu.memory_space<vmem>>, vector<16xf32>,
    }
    %scan3A_8 = arith.constant 32 : i32
    %dma_wait3A = tpu.memref_slice %arg2[%mul3A_2] : memref<1600000xf32, #tpu.memory_space<hbm>> -> memref<50000xf32, #tpu.memory_space<hbm>>
    %dma_wait3A_9 = tpu.memref_slice %arg2[%mul3A_2] : memref<1600000xf32, #tpu.memory_space<hbm>> -> memref<50000xf32, #tpu.memory_space<hbm>>
    tpu.wait_dma2 semaphore(%arg7 : memref<!tpu.dma_semaphore, #tpu.memory_space<semaphore_mem>>) src(%dma_wait3A_9 : memref<50000xf32, #tpu.memory_space<hbm>>) dst(%arg4 : memref<50000xf32, #tpu.memory_space<vmem>>)
    %scan3A_10 = arith.constant 0 : i32
    %scan3A_11 = arith.constant 0 : i32
    %scan3A_12 = arith.constant 125 : i32
    %scan3A_13 = arith.addi %scan3A_11, %scan3A_12 : i32
    %scan3A_14 = arith.constant 1 : i32
    scf.for %scan3A_24 = %scan3A_11 to %scan3A_13 step %scan3A_14  : i32 {
      %mul3A_25 = arith.constant 25 : i32
      %mul3A_26 = arith.muli %scan3A_24, %mul3A_25 : i32
      %add3A_27 = arith.constant 0 : i32
      %add3A_28 = arith.addi %mul3A_26, %add3A_27 : i32
      %mul3A_29 = arith.constant 16 : i32
      %mul3A_30 = arith.muli %add3A_28, %mul3A_29 : i32
      %get3A = arith.index_cast %mul3A_30 : i32 to index
      %get3A_31 = tpu.vector_load %arg4[%get3A] {strides = array<i32>} : memref<50000xf32, #tpu.memory_space<vmem>>, vector<16xf32>,
      %convert_element_type3A = arith.fptosi %get3A_31 : vector<16xf32> to vector<16xi32>
      %convert_element_type3A_32 = arith.sitofp %convert_element_type3A : vector<16xi32> to vector<16xf32>
      %sub3A = arith.subf %get3A_31, %convert_element_type3A_32 : vector<16xf32>
      %lt3A = arith.constant 4096 : i32
      %lt3A_33 = vector.broadcast %lt3A : i32 to vector<16xi32>
      %lt3A_34 = arith.cmpi slt, %convert_element_type3A, %lt3A_33 : vector<16xi32>
      tpu.vector_store_idx %arg5[%convert_element_type3A], %sub3A masked %lt3A_34 {add = true} : memref<4096xf32, #tpu.memory_space<vmem>>[vector<16xi32>], vector<16xf32>, vector<16xi1>
      %and3A = arith.constant 31 : i32
      %and3A_35 = vector.broadcast %and3A : i32 to vector<16xi32>
      %and3A_36 = arith.andi %convert_element_type3A, %and3A_35 : vector<16xi32>
      %ne3A = arith.constant 31 : i32
      %ne3A_37 = vector.broadcast %ne3A : i32 to vector<16xi32>
      %ne3A_38 = arith.cmpi ne, %and3A_36, %ne3A_37 : vector<16xi32>
      %and3A_39 = arith.andi %lt3A_34, %ne3A_38 : vector<16xi1>
      %add3A_40 = arith.constant 1 : i32
      %add3A_41 = vector.broadcast %add3A_40 : i32 to vector<16xi32>
      %add3A_42 = arith.addi %convert_element_type3A, %add3A_41 : vector<16xi32>
      %sub3A_43 = arith.constant 1.000000e+00 : f32
      %sub3A_44 = vector.broadcast %sub3A_43 : f32 to vector<16xf32>
      %sub3A_45 = arith.subf %sub3A_44, %sub3A : vector<16xf32>
      tpu.vector_store_idx %arg5[%add3A_42], %sub3A_45 masked %and3A_39 {add = true} : memref<4096xf32, #tpu.memory_space<vmem>>[vector<16xi32>], vector<16xf32>, vector<16xi1>
      %mul3A_46 = arith.constant 25 : i32
      %mul3A_47 = arith.muli %scan3A_24, %mul3A_46 : i32
      %add3A_48 = arith.constant 1 : i32
      %add3A_49 = arith.addi %mul3A_47, %add3A_48 : i32
      %mul3A_50 = arith.constant 16 : i32
      %mul3A_51 = arith.muli %add3A_49, %mul3A_50 : i32
      %get3A_52 = arith.index_cast %mul3A_51 : i32 to index
      %get3A_53 = tpu.vector_load %arg4[%get3A_52] {strides = array<i32>} : memref<50000xf32, #tpu.memory_space<vmem>>, vector<16xf32>,
      %convert_element_type3A_54 = arith.fptosi %get3A_53 : vector<16xf32> to vector<16xi32>
      %convert_element_type3A_55 = arith.sitofp %convert_element_type3A_54 : vector<16xi32> to vector<16xf32>
      %sub3A_56 = arith.subf %get3A_53, %convert_element_type3A_55 : vector<16xf32>
      %lt3A_57 = arith.constant 4096 : i32
      %lt3A_58 = vector.broadcast %lt3A_57 : i32 to vector<16xi32>
      %lt3A_59 = arith.cmpi slt, %convert_element_type3A_54, %lt3A_58 : vector<16xi32>
      tpu.vector_store_idx %arg5[%convert_element_type3A_54], %sub3A_56 masked %lt3A_59 {add = true} : memref<4096xf32, #tpu.memory_space<vmem>>[vector<16xi32>], vector<16xf32>, vector<16xi1>
      %and3A_60 = arith.constant 31 : i32
      %and3A_61 = vector.broadcast %and3A_60 : i32 to vector<16xi32>
      %and3A_62 = arith.andi %convert_element_type3A_54, %and3A_61 : vector<16xi32>
      %ne3A_63 = arith.constant 31 : i32
      %ne3A_64 = vector.broadcast %ne3A_63 : i32 to vector<16xi32>
      %ne3A_65 = arith.cmpi ne, %and3A_62, %ne3A_64 : vector<16xi32>
      %and3A_66 = arith.andi %lt3A_59, %ne3A_65 : vector<16xi1>
      %add3A_67 = arith.constant 1 : i32
      %add3A_68 = vector.broadcast %add3A_67 : i32 to vector<16xi32>
      %add3A_69 = arith.addi %convert_element_type3A_54, %add3A_68 : vector<16xi32>
      %sub3A_70 = arith.constant 1.000000e+00 : f32
      %sub3A_71 = vector.broadcast %sub3A_70 : f32 to vector<16xf32>
      %sub3A_72 = arith.subf %sub3A_71, %sub3A_56 : vector<16xf32>
      tpu.vector_store_idx %arg5[%add3A_69], %sub3A_72 masked %and3A_66 {add = true} : memref<4096xf32, #tpu.memory_space<vmem>>[vector<16xi32>], vector<16xf32>, vector<16xi1>
      %mul3A_73 = arith.constant 25 : i32
      %mul3A_74 = arith.muli %scan3A_24, %mul3A_73 : i32
      %add3A_75 = arith.constant 2 : i32
      %add3A_76 = arith.addi %mul3A_74, %add3A_75 : i32
      %mul3A_77 = arith.constant 16 : i32
      %mul3A_78 = arith.muli %add3A_76, %mul3A_77 : i32
      %get3A_79 = arith.index_cast %mul3A_78 : i32 to index
      %get3A_80 = tpu.vector_load %arg4[%get3A_79] {strides = array<i32>} : memref<50000xf32, #tpu.memory_space<vmem>>, vector<16xf32>,
      %convert_element_type3A_81 = arith.fptosi %get3A_80 : vector<16xf32> to vector<16xi32>
      %convert_element_type3A_82 = arith.sitofp %convert_element_type3A_81 : vector<16xi32> to vector<16xf32>
      %sub3A_83 = arith.subf %get3A_80, %convert_element_type3A_82 : vector<16xf32>
      %lt3A_84 = arith.constant 4096 : i32
      %lt3A_85 = vector.broadcast %lt3A_84 : i32 to vector<16xi32>
      %lt3A_86 = arith.cmpi slt, %convert_element_type3A_81, %lt3A_85 : vector<16xi32>
      tpu.vector_store_idx %arg5[%convert_element_type3A_81], %sub3A_83 masked %lt3A_86 {add = true} : memref<4096xf32, #tpu.memory_space<vmem>>[vector<16xi32>], vector<16xf32>, vector<16xi1>
      %and3A_87 = arith.constant 31 : i32
      %and3A_88 = vector.broadcast %and3A_87 : i32 to vector<16xi32>
      %and3A_89 = arith.andi %convert_element_type3A_81, %and3A_88 : vector<16xi32>
      %ne3A_90 = arith.constant 31 : i32
      %ne3A_91 = vector.broadcast %ne3A_90 : i32 to vector<16xi32>
      %ne3A_92 = arith.cmpi ne, %and3A_89, %ne3A_91 : vector<16xi32>
      %and3A_93 = arith.andi %lt3A_86, %ne3A_92 : vector<16xi1>
      %add3A_94 = arith.constant 1 : i32
      %add3A_95 = vector.broadcast %add3A_94 : i32 to vector<16xi32>
      %add3A_96 = arith.addi %convert_element_type3A_81, %add3A_95 : vector<16xi32>
      %sub3A_97 = arith.constant 1.000000e+00 : f32
      %sub3A_98 = vector.broadcast %sub3A_97 : f32 to vector<16xf32>
      %sub3A_99 = arith.subf %sub3A_98, %sub3A_83 : vector<16xf32>
      tpu.vector_store_idx %arg5[%add3A_96], %sub3A_99 masked %and3A_93 {add = true} : memref<4096xf32, #tpu.memory_space<vmem>>[vector<16xi32>], vector<16xf32>, vector<16xi1>
      %mul3A_100 = arith.constant 25 : i32
      %mul3A_101 = arith.muli %scan3A_24, %mul3A_100 : i32
      %add3A_102 = arith.constant 3 : i32
      %add3A_103 = arith.addi %mul3A_101, %add3A_102 : i32
      %mul3A_104 = arith.constant 16 : i32
      %mul3A_105 = arith.muli %add3A_103, %mul3A_104 : i32
      %get3A_106 = arith.index_cast %mul3A_105 : i32 to index
      %get3A_107 = tpu.vector_load %arg4[%get3A_106] {strides = array<i32>} : memref<50000xf32, #tpu.memory_space<vmem>>, vector<16xf32>,
      %convert_element_type3A_108 = arith.fptosi %get3A_107 : vector<16xf32> to vector<16xi32>
      %convert_element_type3A_109 = arith.sitofp %convert_element_type3A_108 : vector<16xi32> to vector<16xf32>
      %sub3A_110 = arith.subf %get3A_107, %convert_element_type3A_109 : vector<16xf32>
      %lt3A_111 = arith.constant 4096 : i32
      %lt3A_112 = vector.broadcast %lt3A_111 : i32 to vector<16xi32>
      %lt3A_113 = arith.cmpi slt, %convert_element_type3A_108, %lt3A_112 : vector<16xi32>
      tpu.vector_store_idx %arg5[%convert_element_type3A_108], %sub3A_110 masked %lt3A_113 {add = true} : memref<4096xf32, #tpu.memory_space<vmem>>[vector<16xi32>], vector<16xf32>, vector<16xi1>
      %and3A_114 = arith.constant 31 : i32
      %and3A_115 = vector.broadcast %and3A_114 : i32 to vector<16xi32>
      %and3A_116 = arith.andi %convert_element_type3A_108, %and3A_115 : vector<16xi32>
      %ne3A_117 = arith.constant 31 : i32
      %ne3A_118 = vector.broadcast %ne3A_117 : i32 to vector<16xi32>
      %ne3A_119 = arith.cmpi ne, %and3A_116, %ne3A_118 : vector<16xi32>
      %and3A_120 = arith.andi %lt3A_113, %ne3A_119 : vector<16xi1>
      %add3A_121 = arith.constant 1 : i32
      %add3A_122 = vector.broadcast %add3A_121 : i32 to vector<16xi32>
      %add3A_123 = arith.addi %convert_element_type3A_108, %add3A_122 : vector<16xi32>
      %sub3A_124 = arith.constant 1.000000e+00 : f32
      %sub3A_125 = vector.broadcast %sub3A_124 : f32 to vector<16xf32>
      %sub3A_126 = arith.subf %sub3A_125, %sub3A_110 : vector<16xf32>
      tpu.vector_store_idx %arg5[%add3A_123], %sub3A_126 masked %and3A_120 {add = true} : memref<4096xf32, #tpu.memory_space<vmem>>[vector<16xi32>], vector<16xf32>, vector<16xi1>
      %mul3A_127 = arith.constant 25 : i32
      %mul3A_128 = arith.muli %scan3A_24, %mul3A_127 : i32
      %add3A_129 = arith.constant 4 : i32
      %add3A_130 = arith.addi %mul3A_128, %add3A_129 : i32
      %mul3A_131 = arith.constant 16 : i32
      %mul3A_132 = arith.muli %add3A_130, %mul3A_131 : i32
      %get3A_133 = arith.index_cast %mul3A_132 : i32 to index
      %get3A_134 = tpu.vector_load %arg4[%get3A_133] {strides = array<i32>} : memref<50000xf32, #tpu.memory_space<vmem>>, vector<16xf32>,
      %convert_element_type3A_135 = arith.fptosi %get3A_134 : vector<16xf32> to vector<16xi32>
      %convert_element_type3A_136 = arith.sitofp %convert_element_type3A_135 : vector<16xi32> to vector<16xf32>
      %sub3A_137 = arith.subf %get3A_134, %convert_element_type3A_136 : vector<16xf32>
      %lt3A_138 = arith.constant 4096 : i32
      %lt3A_139 = vector.broadcast %lt3A_138 : i32 to vector<16xi32>
      %lt3A_140 = arith.cmpi slt, %convert_element_type3A_135, %lt3A_139 : vector<16xi32>
      tpu.vector_store_idx %arg5[%convert_element_type3A_135], %sub3A_137 masked %lt3A_140 {add = true} : memref<4096xf32, #tpu.memory_space<vmem>>[vector<16xi32>], vector<16xf32>, vector<16xi1>
      %and3A_141 = arith.constant 31 : i32
      %and3A_142 = vector.broadcast %and3A_141 : i32 to vector<16xi32>
      %and3A_143 = arith.andi %convert_element_type3A_135, %and3A_142 : vector<16xi32>
      %ne3A_144 = arith.constant 31 : i32
      %ne3A_145 = vector.broadcast %ne3A_144 : i32 to vector<16xi32>
      %ne3A_146 = arith.cmpi ne, %and3A_143, %ne3A_145 : vector<16xi32>
      %and3A_147 = arith.andi %lt3A_140, %ne3A_146 : vector<16xi1>
      %add3A_148 = arith.constant 1 : i32
      %add3A_149 = vector.broadcast %add3A_148 : i32 to vector<16xi32>
      %add3A_150 = arith.addi %convert_element_type3A_135, %add3A_149 : vector<16xi32>
      %sub3A_151 = arith.constant 1.000000e+00 : f32
      %sub3A_152 = vector.broadcast %sub3A_151 : f32 to vector<16xf32>
      %sub3A_153 = arith.subf %sub3A_152, %sub3A_137 : vector<16xf32>
      tpu.vector_store_idx %arg5[%add3A_150], %sub3A_153 masked %and3A_147 {add = true} : memref<4096xf32, #tpu.memory_space<vmem>>[vector<16xi32>], vector<16xf32>, vector<16xi1>
      %mul3A_154 = arith.constant 25 : i32
      %mul3A_155 = arith.muli %scan3A_24, %mul3A_154 : i32
      %add3A_156 = arith.constant 5 : i32
      %add3A_157 = arith.addi %mul3A_155, %add3A_156 : i32
      %mul3A_158 = arith.constant 16 : i32
      %mul3A_159 = arith.muli %add3A_157, %mul3A_158 : i32
      %get3A_160 = arith.index_cast %mul3A_159 : i32 to index
      %get3A_161 = tpu.vector_load %arg4[%get3A_160] {strides = array<i32>} : memref<50000xf32, #tpu.memory_space<vmem>>, vector<16xf32>,
      %convert_element_type3A_162 = arith.fptosi %get3A_161 : vector<16xf32> to vector<16xi32>
      %convert_element_type3A_163 = arith.sitofp %convert_element_type3A_162 : vector<16xi32> to vector<16xf32>
      %sub3A_164 = arith.subf %get3A_161, %convert_element_type3A_163 : vector<16xf32>
      %lt3A_165 = arith.constant 4096 : i32
      %lt3A_166 = vector.broadcast %lt3A_165 : i32 to vector<16xi32>
      %lt3A_167 = arith.cmpi slt, %convert_element_type3A_162, %lt3A_166 : vector<16xi32>
      tpu.vector_store_idx %arg5[%convert_element_type3A_162], %sub3A_164 masked %lt3A_167 {add = true} : memref<4096xf32, #tpu.memory_space<vmem>>[vector<16xi32>], vector<16xf32>, vector<16xi1>
      %and3A_168 = arith.constant 31 : i32
      %and3A_169 = vector.broadcast %and3A_168 : i32 to vector<16xi32>
      %and3A_170 = arith.andi %convert_element_type3A_162, %and3A_169 : vector<16xi32>
      %ne3A_171 = arith.constant 31 : i32
      %ne3A_172 = vector.broadcast %ne3A_171 : i32 to vector<16xi32>
      %ne3A_173 = arith.cmpi ne, %and3A_170, %ne3A_172 : vector<16xi32>
      %and3A_174 = arith.andi %lt3A_167, %ne3A_173 : vector<16xi1>
      %add3A_175 = arith.constant 1 : i32
      %add3A_176 = vector.broadcast %add3A_175 : i32 to vector<16xi32>
      %add3A_177 = arith.addi %convert_element_type3A_162, %add3A_176 : vector<16xi32>
      %sub3A_178 = arith.constant 1.000000e+00 : f32
      %sub3A_179 = vector.broadcast %sub3A_178 : f32 to vector<16xf32>
      %sub3A_180 = arith.subf %sub3A_179, %sub3A_164 : vector<16xf32>
      tpu.vector_store_idx %arg5[%add3A_177], %sub3A_180 masked %and3A_174 {add = true} : memref<4096xf32, #tpu.memory_space<vmem>>[vector<16xi32>], vector<16xf32>, vector<16xi1>
      %mul3A_181 = arith.constant 25 : i32
      %mul3A_182 = arith.muli %scan3A_24, %mul3A_181 : i32
      %add3A_183 = arith.constant 6 : i32
      %add3A_184 = arith.addi %mul3A_182, %add3A_183 : i32
      %mul3A_185 = arith.constant 16 : i32
      %mul3A_186 = arith.muli %add3A_184, %mul3A_185 : i32
      %get3A_187 = arith.index_cast %mul3A_186 : i32 to index
      %get3A_188 = tpu.vector_load %arg4[%get3A_187] {strides = array<i32>} : memref<50000xf32, #tpu.memory_space<vmem>>, vector<16xf32>,
      %convert_element_type3A_189 = arith.fptosi %get3A_188 : vector<16xf32> to vector<16xi32>
      %convert_element_type3A_190 = arith.sitofp %convert_element_type3A_189 : vector<16xi32> to vector<16xf32>
      %sub3A_191 = arith.subf %get3A_188, %convert_element_type3A_190 : vector<16xf32>
      %lt3A_192 = arith.constant 4096 : i32
      %lt3A_193 = vector.broadcast %lt3A_192 : i32 to vector<16xi32>
      %lt3A_194 = arith.cmpi slt, %convert_element_type3A_189, %lt3A_193 : vector<16xi32>
      tpu.vector_store_idx %arg5[%convert_element_type3A_189], %sub3A_191 masked %lt3A_194 {add = true} : memref<4096xf32, #tpu.memory_space<vmem>>[vector<16xi32>], vector<16xf32>, vector<16xi1>
      %and3A_195 = arith.constant 31 : i32
      %and3A_196 = vector.broadcast %and3A_195 : i32 to vector<16xi32>
      %and3A_197 = arith.andi %convert_element_type3A_189, %and3A_196 : vector<16xi32>
      %ne3A_198 = arith.constant 31 : i32
      %ne3A_199 = vector.broadcast %ne3A_198 : i32 to vector<16xi32>
      %ne3A_200 = arith.cmpi ne, %and3A_197, %ne3A_199 : vector<16xi32>
      %and3A_201 = arith.andi %lt3A_194, %ne3A_200 : vector<16xi1>
      %add3A_202 = arith.constant 1 : i32
      %add3A_203 = vector.broadcast %add3A_202 : i32 to vector<16xi32>
      %add3A_204 = arith.addi %convert_element_type3A_189, %add3A_203 : vector<16xi32>
      %sub3A_205 = arith.constant 1.000000e+00 : f32
      %sub3A_206 = vector.broadcast %sub3A_205 : f32 to vector<16xf32>
      %sub3A_207 = arith.subf %sub3A_206, %sub3A_191 : vector<16xf32>
      tpu.vector_store_idx %arg5[%add3A_204], %sub3A_207 masked %and3A_201 {add = true} : memref<4096xf32, #tpu.memory_space<vmem>>[vector<16xi32>], vector<16xf32>, vector<16xi1>
      %mul3A_208 = arith.constant 25 : i32
      %mul3A_209 = arith.muli %scan3A_24, %mul3A_208 : i32
      %add3A_210 = arith.constant 7 : i32
      %add3A_211 = arith.addi %mul3A_209, %add3A_210 : i32
      %mul3A_212 = arith.constant 16 : i32
      %mul3A_213 = arith.muli %add3A_211, %mul3A_212 : i32
      %get3A_214 = arith.index_cast %mul3A_213 : i32 to index
      %get3A_215 = tpu.vector_load %arg4[%get3A_214] {strides = array<i32>} : memref<50000xf32, #tpu.memory_space<vmem>>, vector<16xf32>,
      %convert_element_type3A_216 = arith.fptosi %get3A_215 : vector<16xf32> to vector<16xi32>
      %convert_element_type3A_217 = arith.sitofp %convert_element_type3A_216 : vector<16xi32> to vector<16xf32>
      %sub3A_218 = arith.subf %get3A_215, %convert_element_type3A_217 : vector<16xf32>
      %lt3A_219 = arith.constant 4096 : i32
      %lt3A_220 = vector.broadcast %lt3A_219 : i32 to vector<16xi32>
      %lt3A_221 = arith.cmpi slt, %convert_element_type3A_216, %lt3A_220 : vector<16xi32>
      tpu.vector_store_idx %arg5[%convert_element_type3A_216], %sub3A_218 masked %lt3A_221 {add = true} : memref<4096xf32, #tpu.memory_space<vmem>>[vector<16xi32>], vector<16xf32>, vector<16xi1>
      %and3A_222 = arith.constant 31 : i32
      %and3A_223 = vector.broadcast %and3A_222 : i32 to vector<16xi32>
      %and3A_224 = arith.andi %convert_element_type3A_216, %and3A_223 : vector<16xi32>
      %ne3A_225 = arith.constant 31 : i32
      %ne3A_226 = vector.broadcast %ne3A_225 : i32 to vector<16xi32>
      %ne3A_227 = arith.cmpi ne, %and3A_224, %ne3A_226 : vector<16xi32>
      %and3A_228 = arith.andi %lt3A_221, %ne3A_227 : vector<16xi1>
      %add3A_229 = arith.constant 1 : i32
      %add3A_230 = vector.broadcast %add3A_229 : i32 to vector<16xi32>
      %add3A_231 = arith.addi %convert_element_type3A_216, %add3A_230 : vector<16xi32>
      %sub3A_232 = arith.constant 1.000000e+00 : f32
      %sub3A_233 = vector.broadcast %sub3A_232 : f32 to vector<16xf32>
      %sub3A_234 = arith.subf %sub3A_233, %sub3A_218 : vector<16xf32>
      tpu.vector_store_idx %arg5[%add3A_231], %sub3A_234 masked %and3A_228 {add = true} : memref<4096xf32, #tpu.memory_space<vmem>>[vector<16xi32>], vector<16xf32>, vector<16xi1>
      %mul3A_235 = arith.constant 25 : i32
      %mul3A_236 = arith.muli %scan3A_24, %mul3A_235 : i32
      %add3A_237 = arith.constant 8 : i32
      %add3A_238 = arith.addi %mul3A_236, %add3A_237 : i32
      %mul3A_239 = arith.constant 16 : i32
      %mul3A_240 = arith.muli %add3A_238, %mul3A_239 : i32
      %get3A_241 = arith.index_cast %mul3A_240 : i32 to index
      %get3A_242 = tpu.vector_load %arg4[%get3A_241] {strides = array<i32>} : memref<50000xf32, #tpu.memory_space<vmem>>, vector<16xf32>,
      %convert_element_type3A_243 = arith.fptosi %get3A_242 : vector<16xf32> to vector<16xi32>
      %convert_element_type3A_244 = arith.sitofp %convert_element_type3A_243 : vector<16xi32> to vector<16xf32>
      %sub3A_245 = arith.subf %get3A_242, %convert_element_type3A_244 : vector<16xf32>
      %lt3A_246 = arith.constant 4096 : i32
      %lt3A_247 = vector.broadcast %lt3A_246 : i32 to vector<16xi32>
      %lt3A_248 = arith.cmpi slt, %convert_element_type3A_243, %lt3A_247 : vector<16xi32>
      tpu.vector_store_idx %arg5[%convert_element_type3A_243], %sub3A_245 masked %lt3A_248 {add = true} : memref<4096xf32, #tpu.memory_space<vmem>>[vector<16xi32>], vector<16xf32>, vector<16xi1>
      %and3A_249 = arith.constant 31 : i32
      %and3A_250 = vector.broadcast %and3A_249 : i32 to vector<16xi32>
      %and3A_251 = arith.andi %convert_element_type3A_243, %and3A_250 : vector<16xi32>
      %ne3A_252 = arith.constant 31 : i32
      %ne3A_253 = vector.broadcast %ne3A_252 : i32 to vector<16xi32>
      %ne3A_254 = arith.cmpi ne, %and3A_251, %ne3A_253 : vector<16xi32>
      %and3A_255 = arith.andi %lt3A_248, %ne3A_254 : vector<16xi1>
      %add3A_256 = arith.constant 1 : i32
      %add3A_257 = vector.broadcast %add3A_256 : i32 to vector<16xi32>
      %add3A_258 = arith.addi %convert_element_type3A_243, %add3A_257 : vector<16xi32>
      %sub3A_259 = arith.constant 1.000000e+00 : f32
      %sub3A_260 = vector.broadcast %sub3A_259 : f32 to vector<16xf32>
      %sub3A_261 = arith.subf %sub3A_260, %sub3A_245 : vector<16xf32>
      tpu.vector_store_idx %arg5[%add3A_258], %sub3A_261 masked %and3A_255 {add = true} : memref<4096xf32, #tpu.memory_space<vmem>>[vector<16xi32>], vector<16xf32>, vector<16xi1>
      %mul3A_262 = arith.constant 25 : i32
      %mul3A_263 = arith.muli %scan3A_24, %mul3A_262 : i32
      %add3A_264 = arith.constant 9 : i32
      %add3A_265 = arith.addi %mul3A_263, %add3A_264 : i32
      %mul3A_266 = arith.constant 16 : i32
      %mul3A_267 = arith.muli %add3A_265, %mul3A_266 : i32
      %get3A_268 = arith.index_cast %mul3A_267 : i32 to index
      %get3A_269 = tpu.vector_load %arg4[%get3A_268] {strides = array<i32>} : memref<50000xf32, #tpu.memory_space<vmem>>, vector<16xf32>,
      %convert_element_type3A_270 = arith.fptosi %get3A_269 : vector<16xf32> to vector<16xi32>
      %convert_element_type3A_271 = arith.sitofp %convert_element_type3A_270 : vector<16xi32> to vector<16xf32>
      %sub3A_272 = arith.subf %get3A_269, %convert_element_type3A_271 : vector<16xf32>
      %lt3A_273 = arith.constant 4096 : i32
      %lt3A_274 = vector.broadcast %lt3A_273 : i32 to vector<16xi32>
      %lt3A_275 = arith.cmpi slt, %convert_element_type3A_270, %lt3A_274 : vector<16xi32>
      tpu.vector_store_idx %arg5[%convert_element_type3A_270], %sub3A_272 masked %lt3A_275 {add = true} : memref<4096xf32, #tpu.memory_space<vmem>>[vector<16xi32>], vector<16xf32>, vector<16xi1>
      %and3A_276 = arith.constant 31 : i32
      %and3A_277 = vector.broadcast %and3A_276 : i32 to vector<16xi32>
      %and3A_278 = arith.andi %convert_element_type3A_270, %and3A_277 : vector<16xi32>
      %ne3A_279 = arith.constant 31 : i32
      %ne3A_280 = vector.broadcast %ne3A_279 : i32 to vector<16xi32>
      %ne3A_281 = arith.cmpi ne, %and3A_278, %ne3A_280 : vector<16xi32>
      %and3A_282 = arith.andi %lt3A_275, %ne3A_281 : vector<16xi1>
      %add3A_283 = arith.constant 1 : i32
      %add3A_284 = vector.broadcast %add3A_283 : i32 to vector<16xi32>
      %add3A_285 = arith.addi %convert_element_type3A_270, %add3A_284 : vector<16xi32>
      %sub3A_286 = arith.constant 1.000000e+00 : f32
      %sub3A_287 = vector.broadcast %sub3A_286 : f32 to vector<16xf32>
      %sub3A_288 = arith.subf %sub3A_287, %sub3A_272 : vector<16xf32>
      tpu.vector_store_idx %arg5[%add3A_285], %sub3A_288 masked %and3A_282 {add = true} : memref<4096xf32, #tpu.memory_space<vmem>>[vector<16xi32>], vector<16xf32>, vector<16xi1>
      %mul3A_289 = arith.constant 25 : i32
      %mul3A_290 = arith.muli %scan3A_24, %mul3A_289 : i32
      %add3A_291 = arith.constant 10 : i32
      %add3A_292 = arith.addi %mul3A_290, %add3A_291 : i32
      %mul3A_293 = arith.constant 16 : i32
      %mul3A_294 = arith.muli %add3A_292, %mul3A_293 : i32
      %get3A_295 = arith.index_cast %mul3A_294 : i32 to index
      %get3A_296 = tpu.vector_load %arg4[%get3A_295] {strides = array<i32>} : memref<50000xf32, #tpu.memory_space<vmem>>, vector<16xf32>,
      %convert_element_type3A_297 = arith.fptosi %get3A_296 : vector<16xf32> to vector<16xi32>
      %convert_element_type3A_298 = arith.sitofp %convert_element_type3A_297 : vector<16xi32> to vector<16xf32>
      %sub3A_299 = arith.subf %get3A_296, %convert_element_type3A_298 : vector<16xf32>
      %lt3A_300 = arith.constant 4096 : i32
      %lt3A_301 = vector.broadcast %lt3A_300 : i32 to vector<16xi32>
      %lt3A_302 = arith.cmpi slt, %convert_element_type3A_297, %lt3A_301 : vector<16xi32>
      tpu.vector_store_idx %arg5[%convert_element_type3A_297], %sub3A_299 masked %lt3A_302 {add = true} : memref<4096xf32, #tpu.memory_space<vmem>>[vector<16xi32>], vector<16xf32>, vector<16xi1>
      %and3A_303 = arith.constant 31 : i32
      %and3A_304 = vector.broadcast %and3A_303 : i32 to vector<16xi32>
      %and3A_305 = arith.andi %convert_element_type3A_297, %and3A_304 : vector<16xi32>
      %ne3A_306 = arith.constant 31 : i32
      %ne3A_307 = vector.broadcast %ne3A_306 : i32 to vector<16xi32>
      %ne3A_308 = arith.cmpi ne, %and3A_305, %ne3A_307 : vector<16xi32>
      %and3A_309 = arith.andi %lt3A_302, %ne3A_308 : vector<16xi1>
      %add3A_310 = arith.constant 1 : i32
      %add3A_311 = vector.broadcast %add3A_310 : i32 to vector<16xi32>
      %add3A_312 = arith.addi %convert_element_type3A_297, %add3A_311 : vector<16xi32>
      %sub3A_313 = arith.constant 1.000000e+00 : f32
      %sub3A_314 = vector.broadcast %sub3A_313 : f32 to vector<16xf32>
      %sub3A_315 = arith.subf %sub3A_314, %sub3A_299 : vector<16xf32>
      tpu.vector_store_idx %arg5[%add3A_312], %sub3A_315 masked %and3A_309 {add = true} : memref<4096xf32, #tpu.memory_space<vmem>>[vector<16xi32>], vector<16xf32>, vector<16xi1>
      %mul3A_316 = arith.constant 25 : i32
      %mul3A_317 = arith.muli %scan3A_24, %mul3A_316 : i32
      %add3A_318 = arith.constant 11 : i32
      %add3A_319 = arith.addi %mul3A_317, %add3A_318 : i32
      %mul3A_320 = arith.constant 16 : i32
      %mul3A_321 = arith.muli %add3A_319, %mul3A_320 : i32
      %get3A_322 = arith.index_cast %mul3A_321 : i32 to index
      %get3A_323 = tpu.vector_load %arg4[%get3A_322] {strides = array<i32>} : memref<50000xf32, #tpu.memory_space<vmem>>, vector<16xf32>,
      %convert_element_type3A_324 = arith.fptosi %get3A_323 : vector<16xf32> to vector<16xi32>
      %convert_element_type3A_325 = arith.sitofp %convert_element_type3A_324 : vector<16xi32> to vector<16xf32>
      %sub3A_326 = arith.subf %get3A_323, %convert_element_type3A_325 : vector<16xf32>
      %lt3A_327 = arith.constant 4096 : i32
      %lt3A_328 = vector.broadcast %lt3A_327 : i32 to vector<16xi32>
      %lt3A_329 = arith.cmpi slt, %convert_element_type3A_324, %lt3A_328 : vector<16xi32>
      tpu.vector_store_idx %arg5[%convert_element_type3A_324], %sub3A_326 masked %lt3A_329 {add = true} : memref<4096xf32, #tpu.memory_space<vmem>>[vector<16xi32>], vector<16xf32>, vector<16xi1>
      %and3A_330 = arith.constant 31 : i32
      %and3A_331 = vector.broadcast %and3A_330 : i32 to vector<16xi32>
      %and3A_332 = arith.andi %convert_element_type3A_324, %and3A_331 : vector<16xi32>
      %ne3A_333 = arith.constant 31 : i32
      %ne3A_334 = vector.broadcast %ne3A_333 : i32 to vector<16xi32>
      %ne3A_335 = arith.cmpi ne, %and3A_332, %ne3A_334 : vector<16xi32>
      %and3A_336 = arith.andi %lt3A_329, %ne3A_335 : vector<16xi1>
      %add3A_337 = arith.constant 1 : i32
      %add3A_338 = vector.broadcast %add3A_337 : i32 to vector<16xi32>
      %add3A_339 = arith.addi %convert_element_type3A_324, %add3A_338 : vector<16xi32>
      %sub3A_340 = arith.constant 1.000000e+00 : f32
      %sub3A_341 = vector.broadcast %sub3A_340 : f32 to vector<16xf32>
      %sub3A_342 = arith.subf %sub3A_341, %sub3A_326 : vector<16xf32>
      tpu.vector_store_idx %arg5[%add3A_339], %sub3A_342 masked %and3A_336 {add = true} : memref<4096xf32, #tpu.memory_space<vmem>>[vector<16xi32>], vector<16xf32>, vector<16xi1>
      %mul3A_343 = arith.constant 25 : i32
      %mul3A_344 = arith.muli %scan3A_24, %mul3A_343 : i32
      %add3A_345 = arith.constant 12 : i32
      %add3A_346 = arith.addi %mul3A_344, %add3A_345 : i32
      %mul3A_347 = arith.constant 16 : i32
      %mul3A_348 = arith.muli %add3A_346, %mul3A_347 : i32
      %get3A_349 = arith.index_cast %mul3A_348 : i32 to index
      %get3A_350 = tpu.vector_load %arg4[%get3A_349] {strides = array<i32>} : memref<50000xf32, #tpu.memory_space<vmem>>, vector<16xf32>,
      %convert_element_type3A_351 = arith.fptosi %get3A_350 : vector<16xf32> to vector<16xi32>
      %convert_element_type3A_352 = arith.sitofp %convert_element_type3A_351 : vector<16xi32> to vector<16xf32>
      %sub3A_353 = arith.subf %get3A_350, %convert_element_type3A_352 : vector<16xf32>
      %lt3A_354 = arith.constant 4096 : i32
      %lt3A_355 = vector.broadcast %lt3A_354 : i32 to vector<16xi32>
      %lt3A_356 = arith.cmpi slt, %convert_element_type3A_351, %lt3A_355 : vector<16xi32>
      tpu.vector_store_idx %arg5[%convert_element_type3A_351], %sub3A_353 masked %lt3A_356 {add = true} : memref<4096xf32, #tpu.memory_space<vmem>>[vector<16xi32>], vector<16xf32>, vector<16xi1>
      %and3A_357 = arith.constant 31 : i32
      %and3A_358 = vector.broadcast %and3A_357 : i32 to vector<16xi32>
      %and3A_359 = arith.andi %convert_element_type3A_351, %and3A_358 : vector<16xi32>
      %ne3A_360 = arith.constant 31 : i32
      %ne3A_361 = vector.broadcast %ne3A_360 : i32 to vector<16xi32>
      %ne3A_362 = arith.cmpi ne, %and3A_359, %ne3A_361 : vector<16xi32>
      %and3A_363 = arith.andi %lt3A_356, %ne3A_362 : vector<16xi1>
      %add3A_364 = arith.constant 1 : i32
      %add3A_365 = vector.broadcast %add3A_364 : i32 to vector<16xi32>
      %add3A_366 = arith.addi %convert_element_type3A_351, %add3A_365 : vector<16xi32>
      %sub3A_367 = arith.constant 1.000000e+00 : f32
      %sub3A_368 = vector.broadcast %sub3A_367 : f32 to vector<16xf32>
      %sub3A_369 = arith.subf %sub3A_368, %sub3A_353 : vector<16xf32>
      tpu.vector_store_idx %arg5[%add3A_366], %sub3A_369 masked %and3A_363 {add = true} : memref<4096xf32, #tpu.memory_space<vmem>>[vector<16xi32>], vector<16xf32>, vector<16xi1>
      %mul3A_370 = arith.constant 25 : i32
      %mul3A_371 = arith.muli %scan3A_24, %mul3A_370 : i32
      %add3A_372 = arith.constant 13 : i32
      %add3A_373 = arith.addi %mul3A_371, %add3A_372 : i32
      %mul3A_374 = arith.constant 16 : i32
      %mul3A_375 = arith.muli %add3A_373, %mul3A_374 : i32
      %get3A_376 = arith.index_cast %mul3A_375 : i32 to index
      %get3A_377 = tpu.vector_load %arg4[%get3A_376] {strides = array<i32>} : memref<50000xf32, #tpu.memory_space<vmem>>, vector<16xf32>,
      %convert_element_type3A_378 = arith.fptosi %get3A_377 : vector<16xf32> to vector<16xi32>
      %convert_element_type3A_379 = arith.sitofp %convert_element_type3A_378 : vector<16xi32> to vector<16xf32>
      %sub3A_380 = arith.subf %get3A_377, %convert_element_type3A_379 : vector<16xf32>
      %lt3A_381 = arith.constant 4096 : i32
      %lt3A_382 = vector.broadcast %lt3A_381 : i32 to vector<16xi32>
      %lt3A_383 = arith.cmpi slt, %convert_element_type3A_378, %lt3A_382 : vector<16xi32>
      tpu.vector_store_idx %arg5[%convert_element_type3A_378], %sub3A_380 masked %lt3A_383 {add = true} : memref<4096xf32, #tpu.memory_space<vmem>>[vector<16xi32>], vector<16xf32>, vector<16xi1>
      %and3A_384 = arith.constant 31 : i32
      %and3A_385 = vector.broadcast %and3A_384 : i32 to vector<16xi32>
      %and3A_386 = arith.andi %convert_element_type3A_378, %and3A_385 : vector<16xi32>
      %ne3A_387 = arith.constant 31 : i32
      %ne3A_388 = vector.broadcast %ne3A_387 : i32 to vector<16xi32>
      %ne3A_389 = arith.cmpi ne, %and3A_386, %ne3A_388 : vector<16xi32>
      %and3A_390 = arith.andi %lt3A_383, %ne3A_389 : vector<16xi1>
      %add3A_391 = arith.constant 1 : i32
      %add3A_392 = vector.broadcast %add3A_391 : i32 to vector<16xi32>
      %add3A_393 = arith.addi %convert_element_type3A_378, %add3A_392 : vector<16xi32>
      %sub3A_394 = arith.constant 1.000000e+00 : f32
      %sub3A_395 = vector.broadcast %sub3A_394 : f32 to vector<16xf32>
      %sub3A_396 = arith.subf %sub3A_395, %sub3A_380 : vector<16xf32>
      tpu.vector_store_idx %arg5[%add3A_393], %sub3A_396 masked %and3A_390 {add = true} : memref<4096xf32, #tpu.memory_space<vmem>>[vector<16xi32>], vector<16xf32>, vector<16xi1>
      %mul3A_397 = arith.constant 25 : i32
      %mul3A_398 = arith.muli %scan3A_24, %mul3A_397 : i32
      %add3A_399 = arith.constant 14 : i32
      %add3A_400 = arith.addi %mul3A_398, %add3A_399 : i32
      %mul3A_401 = arith.constant 16 : i32
      %mul3A_402 = arith.muli %add3A_400, %mul3A_401 : i32
      %get3A_403 = arith.index_cast %mul3A_402 : i32 to index
      %get3A_404 = tpu.vector_load %arg4[%get3A_403] {strides = array<i32>} : memref<50000xf32, #tpu.memory_space<vmem>>, vector<16xf32>,
      %convert_element_type3A_405 = arith.fptosi %get3A_404 : vector<16xf32> to vector<16xi32>
      %convert_element_type3A_406 = arith.sitofp %convert_element_type3A_405 : vector<16xi32> to vector<16xf32>
      %sub3A_407 = arith.subf %get3A_404, %convert_element_type3A_406 : vector<16xf32>
      %lt3A_408 = arith.constant 4096 : i32
      %lt3A_409 = vector.broadcast %lt3A_408 : i32 to vector<16xi32>
      %lt3A_410 = arith.cmpi slt, %convert_element_type3A_405, %lt3A_409 : vector<16xi32>
      tpu.vector_store_idx %arg5[%convert_element_type3A_405], %sub3A_407 masked %lt3A_410 {add = true} : memref<4096xf32, #tpu.memory_space<vmem>>[vector<16xi32>], vector<16xf32>, vector<16xi1>
      %and3A_411 = arith.constant 31 : i32
      %and3A_412 = vector.broadcast %and3A_411 : i32 to vector<16xi32>
      %and3A_413 = arith.andi %convert_element_type3A_405, %and3A_412 : vector<16xi32>
      %ne3A_414 = arith.constant 31 : i32
      %ne3A_415 = vector.broadcast %ne3A_414 : i32 to vector<16xi32>
      %ne3A_416 = arith.cmpi ne, %and3A_413, %ne3A_415 : vector<16xi32>
      %and3A_417 = arith.andi %lt3A_410, %ne3A_416 : vector<16xi1>
      %add3A_418 = arith.constant 1 : i32
      %add3A_419 = vector.broadcast %add3A_418 : i32 to vector<16xi32>
      %add3A_420 = arith.addi %convert_element_type3A_405, %add3A_419 : vector<16xi32>
      %sub3A_421 = arith.constant 1.000000e+00 : f32
      %sub3A_422 = vector.broadcast %sub3A_421 : f32 to vector<16xf32>
      %sub3A_423 = arith.subf %sub3A_422, %sub3A_407 : vector<16xf32>
      tpu.vector_store_idx %arg5[%add3A_420], %sub3A_423 masked %and3A_417 {add = true} : memref<4096xf32, #tpu.memory_space<vmem>>[vector<16xi32>], vector<16xf32>, vector<16xi1>
      %mul3A_424 = arith.constant 25 : i32
      %mul3A_425 = arith.muli %scan3A_24, %mul3A_424 : i32
      %add3A_426 = arith.constant 15 : i32
      %add3A_427 = arith.addi %mul3A_425, %add3A_426 : i32
      %mul3A_428 = arith.constant 16 : i32
      %mul3A_429 = arith.muli %add3A_427, %mul3A_428 : i32
      %get3A_430 = arith.index_cast %mul3A_429 : i32 to index
      %get3A_431 = tpu.vector_load %arg4[%get3A_430] {strides = array<i32>} : memref<50000xf32, #tpu.memory_space<vmem>>, vector<16xf32>,
      %convert_element_type3A_432 = arith.fptosi %get3A_431 : vector<16xf32> to vector<16xi32>
      %convert_element_type3A_433 = arith.sitofp %convert_element_type3A_432 : vector<16xi32> to vector<16xf32>
      %sub3A_434 = arith.subf %get3A_431, %convert_element_type3A_433 : vector<16xf32>
      %lt3A_435 = arith.constant 4096 : i32
      %lt3A_436 = vector.broadcast %lt3A_435 : i32 to vector<16xi32>
      %lt3A_437 = arith.cmpi slt, %convert_element_type3A_432, %lt3A_436 : vector<16xi32>
      tpu.vector_store_idx %arg5[%convert_element_type3A_432], %sub3A_434 masked %lt3A_437 {add = true} : memref<4096xf32, #tpu.memory_space<vmem>>[vector<16xi32>], vector<16xf32>, vector<16xi1>
      %and3A_438 = arith.constant 31 : i32
      %and3A_439 = vector.broadcast %and3A_438 : i32 to vector<16xi32>
      %and3A_440 = arith.andi %convert_element_type3A_432, %and3A_439 : vector<16xi32>
      %ne3A_441 = arith.constant 31 : i32
      %ne3A_442 = vector.broadcast %ne3A_441 : i32 to vector<16xi32>
      %ne3A_443 = arith.cmpi ne, %and3A_440, %ne3A_442 : vector<16xi32>
      %and3A_444 = arith.andi %lt3A_437, %ne3A_443 : vector<16xi1>
      %add3A_445 = arith.constant 1 : i32
      %add3A_446 = vector.broadcast %add3A_445 : i32 to vector<16xi32>
      %add3A_447 = arith.addi %convert_element_type3A_432, %add3A_446 : vector<16xi32>
      %sub3A_448 = arith.constant 1.000000e+00 : f32
      %sub3A_449 = vector.broadcast %sub3A_448 : f32 to vector<16xf32>
      %sub3A_450 = arith.subf %sub3A_449, %sub3A_434 : vector<16xf32>
      tpu.vector_store_idx %arg5[%add3A_447], %sub3A_450 masked %and3A_444 {add = true} : memref<4096xf32, #tpu.memory_space<vmem>>[vector<16xi32>], vector<16xf32>, vector<16xi1>
      %mul3A_451 = arith.constant 25 : i32
      %mul3A_452 = arith.muli %scan3A_24, %mul3A_451 : i32
      %add3A_453 = arith.constant 16 : i32
      %add3A_454 = arith.addi %mul3A_452, %add3A_453 : i32
      %mul3A_455 = arith.constant 16 : i32
      %mul3A_456 = arith.muli %add3A_454, %mul3A_455 : i32
      %get3A_457 = arith.index_cast %mul3A_456 : i32 to index
      %get3A_458 = tpu.vector_load %arg4[%get3A_457] {strides = array<i32>} : memref<50000xf32, #tpu.memory_space<vmem>>, vector<16xf32>,
      %convert_element_type3A_459 = arith.fptosi %get3A_458 : vector<16xf32> to vector<16xi32>
      %convert_element_type3A_460 = arith.sitofp %convert_element_type3A_459 : vector<16xi32> to vector<16xf32>
      %sub3A_461 = arith.subf %get3A_458, %convert_element_type3A_460 : vector<16xf32>
      %lt3A_462 = arith.constant 4096 : i32
      %lt3A_463 = vector.broadcast %lt3A_462 : i32 to vector<16xi32>
      %lt3A_464 = arith.cmpi slt, %convert_element_type3A_459, %lt3A_463 : vector<16xi32>
      tpu.vector_store_idx %arg5[%convert_element_type3A_459], %sub3A_461 masked %lt3A_464 {add = true} : memref<4096xf32, #tpu.memory_space<vmem>>[vector<16xi32>], vector<16xf32>, vector<16xi1>
      %and3A_465 = arith.constant 31 : i32
      %and3A_466 = vector.broadcast %and3A_465 : i32 to vector<16xi32>
      %and3A_467 = arith.andi %convert_element_type3A_459, %and3A_466 : vector<16xi32>
      %ne3A_468 = arith.constant 31 : i32
      %ne3A_469 = vector.broadcast %ne3A_468 : i32 to vector<16xi32>
      %ne3A_470 = arith.cmpi ne, %and3A_467, %ne3A_469 : vector<16xi32>
      %and3A_471 = arith.andi %lt3A_464, %ne3A_470 : vector<16xi1>
      %add3A_472 = arith.constant 1 : i32
      %add3A_473 = vector.broadcast %add3A_472 : i32 to vector<16xi32>
      %add3A_474 = arith.addi %convert_element_type3A_459, %add3A_473 : vector<16xi32>
      %sub3A_475 = arith.constant 1.000000e+00 : f32
      %sub3A_476 = vector.broadcast %sub3A_475 : f32 to vector<16xf32>
      %sub3A_477 = arith.subf %sub3A_476, %sub3A_461 : vector<16xf32>
      tpu.vector_store_idx %arg5[%add3A_474], %sub3A_477 masked %and3A_471 {add = true} : memref<4096xf32, #tpu.memory_space<vmem>>[vector<16xi32>], vector<16xf32>, vector<16xi1>
      %mul3A_478 = arith.constant 25 : i32
      %mul3A_479 = arith.muli %scan3A_24, %mul3A_478 : i32
      %add3A_480 = arith.constant 17 : i32
      %add3A_481 = arith.addi %mul3A_479, %add3A_480 : i32
      %mul3A_482 = arith.constant 16 : i32
      %mul3A_483 = arith.muli %add3A_481, %mul3A_482 : i32
      %get3A_484 = arith.index_cast %mul3A_483 : i32 to index
      %get3A_485 = tpu.vector_load %arg4[%get3A_484] {strides = array<i32>} : memref<50000xf32, #tpu.memory_space<vmem>>, vector<16xf32>,
      %convert_element_type3A_486 = arith.fptosi %get3A_485 : vector<16xf32> to vector<16xi32>
      %convert_element_type3A_487 = arith.sitofp %convert_element_type3A_486 : vector<16xi32> to vector<16xf32>
      %sub3A_488 = arith.subf %get3A_485, %convert_element_type3A_487 : vector<16xf32>
      %lt3A_489 = arith.constant 4096 : i32
      %lt3A_490 = vector.broadcast %lt3A_489 : i32 to vector<16xi32>
      %lt3A_491 = arith.cmpi slt, %convert_element_type3A_486, %lt3A_490 : vector<16xi32>
      tpu.vector_store_idx %arg5[%convert_element_type3A_486], %sub3A_488 masked %lt3A_491 {add = true} : memref<4096xf32, #tpu.memory_space<vmem>>[vector<16xi32>], vector<16xf32>, vector<16xi1>
      %and3A_492 = arith.constant 31 : i32
      %and3A_493 = vector.broadcast %and3A_492 : i32 to vector<16xi32>
      %and3A_494 = arith.andi %convert_element_type3A_486, %and3A_493 : vector<16xi32>
      %ne3A_495 = arith.constant 31 : i32
      %ne3A_496 = vector.broadcast %ne3A_495 : i32 to vector<16xi32>
      %ne3A_497 = arith.cmpi ne, %and3A_494, %ne3A_496 : vector<16xi32>
      %and3A_498 = arith.andi %lt3A_491, %ne3A_497 : vector<16xi1>
      %add3A_499 = arith.constant 1 : i32
      %add3A_500 = vector.broadcast %add3A_499 : i32 to vector<16xi32>
      %add3A_501 = arith.addi %convert_element_type3A_486, %add3A_500 : vector<16xi32>
      %sub3A_502 = arith.constant 1.000000e+00 : f32
      %sub3A_503 = vector.broadcast %sub3A_502 : f32 to vector<16xf32>
      %sub3A_504 = arith.subf %sub3A_503, %sub3A_488 : vector<16xf32>
      tpu.vector_store_idx %arg5[%add3A_501], %sub3A_504 masked %and3A_498 {add = true} : memref<4096xf32, #tpu.memory_space<vmem>>[vector<16xi32>], vector<16xf32>, vector<16xi1>
      %mul3A_505 = arith.constant 25 : i32
      %mul3A_506 = arith.muli %scan3A_24, %mul3A_505 : i32
      %add3A_507 = arith.constant 18 : i32
      %add3A_508 = arith.addi %mul3A_506, %add3A_507 : i32
      %mul3A_509 = arith.constant 16 : i32
      %mul3A_510 = arith.muli %add3A_508, %mul3A_509 : i32
      %get3A_511 = arith.index_cast %mul3A_510 : i32 to index
      %get3A_512 = tpu.vector_load %arg4[%get3A_511] {strides = array<i32>} : memref<50000xf32, #tpu.memory_space<vmem>>, vector<16xf32>,
      %convert_element_type3A_513 = arith.fptosi %get3A_512 : vector<16xf32> to vector<16xi32>
      %convert_element_type3A_514 = arith.sitofp %convert_element_type3A_513 : vector<16xi32> to vector<16xf32>
      %sub3A_515 = arith.subf %get3A_512, %convert_element_type3A_514 : vector<16xf32>
      %lt3A_516 = arith.constant 4096 : i32
      %lt3A_517 = vector.broadcast %lt3A_516 : i32 to vector<16xi32>
      %lt3A_518 = arith.cmpi slt, %convert_element_type3A_513, %lt3A_517 : vector<16xi32>
      tpu.vector_store_idx %arg5[%convert_element_type3A_513], %sub3A_515 masked %lt3A_518 {add = true} : memref<4096xf32, #tpu.memory_space<vmem>>[vector<16xi32>], vector<16xf32>, vector<16xi1>
      %and3A_519 = arith.constant 31 : i32
      %and3A_520 = vector.broadcast %and3A_519 : i32 to vector<16xi32>
      %and3A_521 = arith.andi %convert_element_type3A_513, %and3A_520 : vector<16xi32>
      %ne3A_522 = arith.constant 31 : i32
      %ne3A_523 = vector.broadcast %ne3A_522 : i32 to vector<16xi32>
      %ne3A_524 = arith.cmpi ne, %and3A_521, %ne3A_523 : vector<16xi32>
      %and3A_525 = arith.andi %lt3A_518, %ne3A_524 : vector<16xi1>
      %add3A_526 = arith.constant 1 : i32
      %add3A_527 = vector.broadcast %add3A_526 : i32 to vector<16xi32>
      %add3A_528 = arith.addi %convert_element_type3A_513, %add3A_527 : vector<16xi32>
      %sub3A_529 = arith.constant 1.000000e+00 : f32
      %sub3A_530 = vector.broadcast %sub3A_529 : f32 to vector<16xf32>
      %sub3A_531 = arith.subf %sub3A_530, %sub3A_515 : vector<16xf32>
      tpu.vector_store_idx %arg5[%add3A_528], %sub3A_531 masked %and3A_525 {add = true} : memref<4096xf32, #tpu.memory_space<vmem>>[vector<16xi32>], vector<16xf32>, vector<16xi1>
      %mul3A_532 = arith.constant 25 : i32
      %mul3A_533 = arith.muli %scan3A_24, %mul3A_532 : i32
      %add3A_534 = arith.constant 19 : i32
      %add3A_535 = arith.addi %mul3A_533, %add3A_534 : i32
      %mul3A_536 = arith.constant 16 : i32
      %mul3A_537 = arith.muli %add3A_535, %mul3A_536 : i32
      %get3A_538 = arith.index_cast %mul3A_537 : i32 to index
      %get3A_539 = tpu.vector_load %arg4[%get3A_538] {strides = array<i32>} : memref<50000xf32, #tpu.memory_space<vmem>>, vector<16xf32>,
      %convert_element_type3A_540 = arith.fptosi %get3A_539 : vector<16xf32> to vector<16xi32>
      %convert_element_type3A_541 = arith.sitofp %convert_element_type3A_540 : vector<16xi32> to vector<16xf32>
      %sub3A_542 = arith.subf %get3A_539, %convert_element_type3A_541 : vector<16xf32>
      %lt3A_543 = arith.constant 4096 : i32
      %lt3A_544 = vector.broadcast %lt3A_543 : i32 to vector<16xi32>
      %lt3A_545 = arith.cmpi slt, %convert_element_type3A_540, %lt3A_544 : vector<16xi32>
      tpu.vector_store_idx %arg5[%convert_element_type3A_540], %sub3A_542 masked %lt3A_545 {add = true} : memref<4096xf32, #tpu.memory_space<vmem>>[vector<16xi32>], vector<16xf32>, vector<16xi1>
      %and3A_546 = arith.constant 31 : i32
      %and3A_547 = vector.broadcast %and3A_546 : i32 to vector<16xi32>
      %and3A_548 = arith.andi %convert_element_type3A_540, %and3A_547 : vector<16xi32>
      %ne3A_549 = arith.constant 31 : i32
      %ne3A_550 = vector.broadcast %ne3A_549 : i32 to vector<16xi32>
      %ne3A_551 = arith.cmpi ne, %and3A_548, %ne3A_550 : vector<16xi32>
      %and3A_552 = arith.andi %lt3A_545, %ne3A_551 : vector<16xi1>
      %add3A_553 = arith.constant 1 : i32
      %add3A_554 = vector.broadcast %add3A_553 : i32 to vector<16xi32>
      %add3A_555 = arith.addi %convert_element_type3A_540, %add3A_554 : vector<16xi32>
      %sub3A_556 = arith.constant 1.000000e+00 : f32
      %sub3A_557 = vector.broadcast %sub3A_556 : f32 to vector<16xf32>
      %sub3A_558 = arith.subf %sub3A_557, %sub3A_542 : vector<16xf32>
      tpu.vector_store_idx %arg5[%add3A_555], %sub3A_558 masked %and3A_552 {add = true} : memref<4096xf32, #tpu.memory_space<vmem>>[vector<16xi32>], vector<16xf32>, vector<16xi1>
      %mul3A_559 = arith.constant 25 : i32
      %mul3A_560 = arith.muli %scan3A_24, %mul3A_559 : i32
      %add3A_561 = arith.constant 20 : i32
      %add3A_562 = arith.addi %mul3A_560, %add3A_561 : i32
      %mul3A_563 = arith.constant 16 : i32
      %mul3A_564 = arith.muli %add3A_562, %mul3A_563 : i32
      %get3A_565 = arith.index_cast %mul3A_564 : i32 to index
      %get3A_566 = tpu.vector_load %arg4[%get3A_565] {strides = array<i32>} : memref<50000xf32, #tpu.memory_space<vmem>>, vector<16xf32>,
      %convert_element_type3A_567 = arith.fptosi %get3A_566 : vector<16xf32> to vector<16xi32>
      %convert_element_type3A_568 = arith.sitofp %convert_element_type3A_567 : vector<16xi32> to vector<16xf32>
      %sub3A_569 = arith.subf %get3A_566, %convert_element_type3A_568 : vector<16xf32>
      %lt3A_570 = arith.constant 4096 : i32
      %lt3A_571 = vector.broadcast %lt3A_570 : i32 to vector<16xi32>
      %lt3A_572 = arith.cmpi slt, %convert_element_type3A_567, %lt3A_571 : vector<16xi32>
      tpu.vector_store_idx %arg5[%convert_element_type3A_567], %sub3A_569 masked %lt3A_572 {add = true} : memref<4096xf32, #tpu.memory_space<vmem>>[vector<16xi32>], vector<16xf32>, vector<16xi1>
      %and3A_573 = arith.constant 31 : i32
      %and3A_574 = vector.broadcast %and3A_573 : i32 to vector<16xi32>
      %and3A_575 = arith.andi %convert_element_type3A_567, %and3A_574 : vector<16xi32>
      %ne3A_576 = arith.constant 31 : i32
      %ne3A_577 = vector.broadcast %ne3A_576 : i32 to vector<16xi32>
      %ne3A_578 = arith.cmpi ne, %and3A_575, %ne3A_577 : vector<16xi32>
      %and3A_579 = arith.andi %lt3A_572, %ne3A_578 : vector<16xi1>
      %add3A_580 = arith.constant 1 : i32
      %add3A_581 = vector.broadcast %add3A_580 : i32 to vector<16xi32>
      %add3A_582 = arith.addi %convert_element_type3A_567, %add3A_581 : vector<16xi32>
      %sub3A_583 = arith.constant 1.000000e+00 : f32
      %sub3A_584 = vector.broadcast %sub3A_583 : f32 to vector<16xf32>
      %sub3A_585 = arith.subf %sub3A_584, %sub3A_569 : vector<16xf32>
      tpu.vector_store_idx %arg5[%add3A_582], %sub3A_585 masked %and3A_579 {add = true} : memref<4096xf32, #tpu.memory_space<vmem>>[vector<16xi32>], vector<16xf32>, vector<16xi1>
      %mul3A_586 = arith.constant 25 : i32
      %mul3A_587 = arith.muli %scan3A_24, %mul3A_586 : i32
      %add3A_588 = arith.constant 21 : i32
      %add3A_589 = arith.addi %mul3A_587, %add3A_588 : i32
      %mul3A_590 = arith.constant 16 : i32
      %mul3A_591 = arith.muli %add3A_589, %mul3A_590 : i32
      %get3A_592 = arith.index_cast %mul3A_591 : i32 to index
      %get3A_593 = tpu.vector_load %arg4[%get3A_592] {strides = array<i32>} : memref<50000xf32, #tpu.memory_space<vmem>>, vector<16xf32>,
      %convert_element_type3A_594 = arith.fptosi %get3A_593 : vector<16xf32> to vector<16xi32>
      %convert_element_type3A_595 = arith.sitofp %convert_element_type3A_594 : vector<16xi32> to vector<16xf32>
      %sub3A_596 = arith.subf %get3A_593, %convert_element_type3A_595 : vector<16xf32>
      %lt3A_597 = arith.constant 4096 : i32
      %lt3A_598 = vector.broadcast %lt3A_597 : i32 to vector<16xi32>
      %lt3A_599 = arith.cmpi slt, %convert_element_type3A_594, %lt3A_598 : vector<16xi32>
      tpu.vector_store_idx %arg5[%convert_element_type3A_594], %sub3A_596 masked %lt3A_599 {add = true} : memref<4096xf32, #tpu.memory_space<vmem>>[vector<16xi32>], vector<16xf32>, vector<16xi1>
      %and3A_600 = arith.constant 31 : i32
      %and3A_601 = vector.broadcast %and3A_600 : i32 to vector<16xi32>
      %and3A_602 = arith.andi %convert_element_type3A_594, %and3A_601 : vector<16xi32>
      %ne3A_603 = arith.constant 31 : i32
      %ne3A_604 = vector.broadcast %ne3A_603 : i32 to vector<16xi32>
      %ne3A_605 = arith.cmpi ne, %and3A_602, %ne3A_604 : vector<16xi32>
      %and3A_606 = arith.andi %lt3A_599, %ne3A_605 : vector<16xi1>
      %add3A_607 = arith.constant 1 : i32
      %add3A_608 = vector.broadcast %add3A_607 : i32 to vector<16xi32>
      %add3A_609 = arith.addi %convert_element_type3A_594, %add3A_608 : vector<16xi32>
      %sub3A_610 = arith.constant 1.000000e+00 : f32
      %sub3A_611 = vector.broadcast %sub3A_610 : f32 to vector<16xf32>
      %sub3A_612 = arith.subf %sub3A_611, %sub3A_596 : vector<16xf32>
      tpu.vector_store_idx %arg5[%add3A_609], %sub3A_612 masked %and3A_606 {add = true} : memref<4096xf32, #tpu.memory_space<vmem>>[vector<16xi32>], vector<16xf32>, vector<16xi1>
      %mul3A_613 = arith.constant 25 : i32
      %mul3A_614 = arith.muli %scan3A_24, %mul3A_613 : i32
      %add3A_615 = arith.constant 22 : i32
      %add3A_616 = arith.addi %mul3A_614, %add3A_615 : i32
      %mul3A_617 = arith.constant 16 : i32
      %mul3A_618 = arith.muli %add3A_616, %mul3A_617 : i32
      %get3A_619 = arith.index_cast %mul3A_618 : i32 to index
      %get3A_620 = tpu.vector_load %arg4[%get3A_619] {strides = array<i32>} : memref<50000xf32, #tpu.memory_space<vmem>>, vector<16xf32>,
      %convert_element_type3A_621 = arith.fptosi %get3A_620 : vector<16xf32> to vector<16xi32>
      %convert_element_type3A_622 = arith.sitofp %convert_element_type3A_621 : vector<16xi32> to vector<16xf32>
      %sub3A_623 = arith.subf %get3A_620, %convert_element_type3A_622 : vector<16xf32>
      %lt3A_624 = arith.constant 4096 : i32
      %lt3A_625 = vector.broadcast %lt3A_624 : i32 to vector<16xi32>
      %lt3A_626 = arith.cmpi slt, %convert_element_type3A_621, %lt3A_625 : vector<16xi32>
      tpu.vector_store_idx %arg5[%convert_element_type3A_621], %sub3A_623 masked %lt3A_626 {add = true} : memref<4096xf32, #tpu.memory_space<vmem>>[vector<16xi32>], vector<16xf32>, vector<16xi1>
      %and3A_627 = arith.constant 31 : i32
      %and3A_628 = vector.broadcast %and3A_627 : i32 to vector<16xi32>
      %and3A_629 = arith.andi %convert_element_type3A_621, %and3A_628 : vector<16xi32>
      %ne3A_630 = arith.constant 31 : i32
      %ne3A_631 = vector.broadcast %ne3A_630 : i32 to vector<16xi32>
      %ne3A_632 = arith.cmpi ne, %and3A_629, %ne3A_631 : vector<16xi32>
      %and3A_633 = arith.andi %lt3A_626, %ne3A_632 : vector<16xi1>
      %add3A_634 = arith.constant 1 : i32
      %add3A_635 = vector.broadcast %add3A_634 : i32 to vector<16xi32>
      %add3A_636 = arith.addi %convert_element_type3A_621, %add3A_635 : vector<16xi32>
      %sub3A_637 = arith.constant 1.000000e+00 : f32
      %sub3A_638 = vector.broadcast %sub3A_637 : f32 to vector<16xf32>
      %sub3A_639 = arith.subf %sub3A_638, %sub3A_623 : vector<16xf32>
      tpu.vector_store_idx %arg5[%add3A_636], %sub3A_639 masked %and3A_633 {add = true} : memref<4096xf32, #tpu.memory_space<vmem>>[vector<16xi32>], vector<16xf32>, vector<16xi1>
      %mul3A_640 = arith.constant 25 : i32
      %mul3A_641 = arith.muli %scan3A_24, %mul3A_640 : i32
      %add3A_642 = arith.constant 23 : i32
      %add3A_643 = arith.addi %mul3A_641, %add3A_642 : i32
      %mul3A_644 = arith.constant 16 : i32
      %mul3A_645 = arith.muli %add3A_643, %mul3A_644 : i32
      %get3A_646 = arith.index_cast %mul3A_645 : i32 to index
      %get3A_647 = tpu.vector_load %arg4[%get3A_646] {strides = array<i32>} : memref<50000xf32, #tpu.memory_space<vmem>>, vector<16xf32>,
      %convert_element_type3A_648 = arith.fptosi %get3A_647 : vector<16xf32> to vector<16xi32>
      %convert_element_type3A_649 = arith.sitofp %convert_element_type3A_648 : vector<16xi32> to vector<16xf32>
      %sub3A_650 = arith.subf %get3A_647, %convert_element_type3A_649 : vector<16xf32>
      %lt3A_651 = arith.constant 4096 : i32
      %lt3A_652 = vector.broadcast %lt3A_651 : i32 to vector<16xi32>
      %lt3A_653 = arith.cmpi slt, %convert_element_type3A_648, %lt3A_652 : vector<16xi32>
      tpu.vector_store_idx %arg5[%convert_element_type3A_648], %sub3A_650 masked %lt3A_653 {add = true} : memref<4096xf32, #tpu.memory_space<vmem>>[vector<16xi32>], vector<16xf32>, vector<16xi1>
      %and3A_654 = arith.constant 31 : i32
      %and3A_655 = vector.broadcast %and3A_654 : i32 to vector<16xi32>
      %and3A_656 = arith.andi %convert_element_type3A_648, %and3A_655 : vector<16xi32>
      %ne3A_657 = arith.constant 31 : i32
      %ne3A_658 = vector.broadcast %ne3A_657 : i32 to vector<16xi32>
      %ne3A_659 = arith.cmpi ne, %and3A_656, %ne3A_658 : vector<16xi32>
      %and3A_660 = arith.andi %lt3A_653, %ne3A_659 : vector<16xi1>
      %add3A_661 = arith.constant 1 : i32
      %add3A_662 = vector.broadcast %add3A_661 : i32 to vector<16xi32>
      %add3A_663 = arith.addi %convert_element_type3A_648, %add3A_662 : vector<16xi32>
      %sub3A_664 = arith.constant 1.000000e+00 : f32
      %sub3A_665 = vector.broadcast %sub3A_664 : f32 to vector<16xf32>
      %sub3A_666 = arith.subf %sub3A_665, %sub3A_650 : vector<16xf32>
      tpu.vector_store_idx %arg5[%add3A_663], %sub3A_666 masked %and3A_660 {add = true} : memref<4096xf32, #tpu.memory_space<vmem>>[vector<16xi32>], vector<16xf32>, vector<16xi1>
      %mul3A_667 = arith.constant 25 : i32
      %mul3A_668 = arith.muli %scan3A_24, %mul3A_667 : i32
      %add3A_669 = arith.constant 24 : i32
      %add3A_670 = arith.addi %mul3A_668, %add3A_669 : i32
      %mul3A_671 = arith.constant 16 : i32
      %mul3A_672 = arith.muli %add3A_670, %mul3A_671 : i32
      %get3A_673 = arith.index_cast %mul3A_672 : i32 to index
      %get3A_674 = tpu.vector_load %arg4[%get3A_673] {strides = array<i32>} : memref<50000xf32, #tpu.memory_space<vmem>>, vector<16xf32>,
      %convert_element_type3A_675 = arith.fptosi %get3A_674 : vector<16xf32> to vector<16xi32>
      %convert_element_type3A_676 = arith.sitofp %convert_element_type3A_675 : vector<16xi32> to vector<16xf32>
      %sub3A_677 = arith.subf %get3A_674, %convert_element_type3A_676 : vector<16xf32>
      %lt3A_678 = arith.constant 4096 : i32
      %lt3A_679 = vector.broadcast %lt3A_678 : i32 to vector<16xi32>
      %lt3A_680 = arith.cmpi slt, %convert_element_type3A_675, %lt3A_679 : vector<16xi32>
      tpu.vector_store_idx %arg5[%convert_element_type3A_675], %sub3A_677 masked %lt3A_680 {add = true} : memref<4096xf32, #tpu.memory_space<vmem>>[vector<16xi32>], vector<16xf32>, vector<16xi1>
      %and3A_681 = arith.constant 31 : i32
      %and3A_682 = vector.broadcast %and3A_681 : i32 to vector<16xi32>
      %and3A_683 = arith.andi %convert_element_type3A_675, %and3A_682 : vector<16xi32>
      %ne3A_684 = arith.constant 31 : i32
      %ne3A_685 = vector.broadcast %ne3A_684 : i32 to vector<16xi32>
      %ne3A_686 = arith.cmpi ne, %and3A_683, %ne3A_685 : vector<16xi32>
      %and3A_687 = arith.andi %lt3A_680, %ne3A_686 : vector<16xi1>
      %add3A_688 = arith.constant 1 : i32
      %add3A_689 = vector.broadcast %add3A_688 : i32 to vector<16xi32>
      %add3A_690 = arith.addi %convert_element_type3A_675, %add3A_689 : vector<16xi32>
      %sub3A_691 = arith.constant 1.000000e+00 : f32
      %sub3A_692 = vector.broadcast %sub3A_691 : f32 to vector<16xf32>
      %sub3A_693 = arith.subf %sub3A_692, %sub3A_677 : vector<16xf32>
      tpu.vector_store_idx %arg5[%add3A_690], %sub3A_693 masked %and3A_687 {add = true} : memref<4096xf32, #tpu.memory_space<vmem>>[vector<16xi32>], vector<16xf32>, vector<16xi1>
    }
    %scan3A_15 = arith.constant 125 : i32
    %scan3A_16 = arith.constant 0 : i32
    %scan3A_17 = arith.constant 0 : i32
    %scan3A_18 = arith.constant 128 : i32
    %scan3A_19 = arith.addi %scan3A_17, %scan3A_18 : i32
    %scan3A_20 = arith.constant 1 : i32
    scf.for %scan3A_24 = %scan3A_17 to %scan3A_19 step %scan3A_20  : i32 {
      %mul3A_25 = arith.constant 32 : i32
      %mul3A_26 = arith.muli %scan3A_24, %mul3A_25 : i32
      %get3A = arith.index_cast %mul3A_26 : i32 to index
      %get3A_27 = tpu.vector_load %arg5[%get3A] {strides = array<i32>} : memref<4096xf32, #tpu.memory_space<vmem>>, vector<16xf32>,
      %mul3A_28 = arith.constant 32 : i32
      %mul3A_29 = arith.muli %scan3A_24, %mul3A_28 : i32
      %add3A_30 = arith.constant 16 : i32
      %add3A_31 = arith.addi %mul3A_29, %add3A_30 : i32
      %get3A_32 = arith.index_cast %add3A_31 : i32 to index
      %get3A_33 = tpu.vector_load %arg5[%get3A_32] {strides = array<i32>} : memref<4096xf32, #tpu.memory_space<vmem>>, vector<16xf32>,
      %cumsum3A = arith.constant true
      %cumsum3A_34 = vector.broadcast %cumsum3A : i1 to vector<16xi1>
      %cumsum3A_35 = tpu.scan <sum>, %get3A_27 masked %cumsum3A_34 : vector<16xf32>, vector<16xi1> -> vector<16xf32>
      %cumsum3A_36 = arith.constant true
      %cumsum3A_37 = vector.broadcast %cumsum3A_36 : i1 to vector<16xi1>
      %cumsum3A_38 = tpu.scan <sum>, %get3A_33 masked %cumsum3A_37 : vector<16xf32>, vector<16xi1> -> vector<16xf32>
      %reduce_sum3A = arith.constant true
      %reduce_sum3A_39 = vector.broadcast %reduce_sum3A : i1 to vector<16xi1>
      %reduce_sum3A_40 = tpu.scan <sum>, %get3A_27 masked %reduce_sum3A_39 : vector<16xf32>, vector<16xi1> -> vector<16xf32>
      %reduce_sum3A_41 = vector.extract %reduce_sum3A_40[15] : f32 from vector<16xf32>
      %add3A_42 = vector.broadcast %reduce_sum3A_41 : f32 to vector<16xf32>
      %add3A_43 = arith.addf %cumsum3A_38, %add3A_42 : vector<16xf32>
      %mul3A_44 = arith.constant 32 : i32
      %mul3A_45 = arith.muli %scan3A_24, %mul3A_44 : i32
      %swap3A = arith.index_cast %mul3A_45 : i32 to index
      %swap3A_46 = tpu.vector_load %arg6[%swap3A] {strides = array<i32>} : memref<4096xf32, #tpu.memory_space<vmem>>, vector<16xf32>,
      tpu.vector_store %arg6[%swap3A], %cumsum3A_35 {strides = array<i32>} : memref<4096xf32, #tpu.memory_space<vmem>>, vector<16xf32>,
      %mul3A_47 = arith.constant 32 : i32
      %mul3A_48 = arith.muli %scan3A_24, %mul3A_47 : i32
      %add3A_49 = arith.constant 16 : i32
      %add3A_50 = arith.addi %mul3A_48, %add3A_49 : i32
      %swap3A_51 = arith.index_cast %add3A_50 : i32 to index
      %swap3A_52 = tpu.vector_load %arg6[%swap3A_51] {strides = array<i32>} : memref<4096xf32, #tpu.memory_space<vmem>>, vector<16xf32>,
      tpu.vector_store %arg6[%swap3A_51], %add3A_43 {strides = array<i32>} : memref<4096xf32, #tpu.memory_space<vmem>>, vector<16xf32>,
    }
    %scan3A_21 = arith.constant 128 : i32
    %mul3A_22 = arith.constant 4096 : i32
    %mul3A_23 = arith.muli %add3A, %mul3A_22 : i32
    "tpu.region"() ({
      %run_scoped3A = tpu.sem_alloc : memref<!tpu.dma_semaphore, #tpu.memory_space<semaphore_mem>>
      %dma_start3A_24 = tpu.memref_slice %arg3[%mul3A_23] : memref<131072xf32, #tpu.memory_space<hbm>> -> memref<4096xf32, #tpu.memory_space<hbm>>
      %dma_start3A_25 = tpu.memref_slice %arg3[%mul3A_23] : memref<131072xf32, #tpu.memory_space<hbm>> -> memref<4096xf32, #tpu.memory_space<hbm>>
      tpu.enqueue_dma source(%arg6 : memref<4096xf32, #tpu.memory_space<vmem>>) target(%dma_start3A_25 : memref<4096xf32, #tpu.memory_space<hbm>>) target_semaphore(%run_scoped3A : memref<!tpu.dma_semaphore, #tpu.memory_space<semaphore_mem>>)
      %dma_wait3A_26 = tpu.memref_slice %arg3[%mul3A_23] : memref<131072xf32, #tpu.memory_space<hbm>> -> memref<4096xf32, #tpu.memory_space<hbm>>
      %dma_wait3A_27 = tpu.memref_slice %arg3[%mul3A_23] : memref<131072xf32, #tpu.memory_space<hbm>> -> memref<4096xf32, #tpu.memory_space<hbm>>
      tpu.wait_dma2 semaphore(%run_scoped3A : memref<!tpu.dma_semaphore, #tpu.memory_space<semaphore_mem>>) src(%arg6 : memref<4096xf32, #tpu.memory_space<vmem>>) dst(%dma_wait3A_27 : memref<4096xf32, #tpu.memory_space<hbm>>)
      tpu.yield
    }) : () -> ()
    return
  }
}

module attributes {stable_mosaic.version = 14 : i64} {
  func.func @_encode_kernel(%arg0: i32, %arg1: memref<2048x3xf32, #tpu.memory_space<vmem>>, %arg2: memref<1x2048xi32, #tpu.memory_space<vmem>>, %arg3: memref<3x32xf32, #tpu.memory_space<vmem>>, %arg4: memref<1x32xf32, #tpu.memory_space<vmem>>, %arg5: memref<32x2048xf32, #tpu.memory_space<vmem>>) attributes {dimension_semantics = [#tpu.dimension_semantics<arbitrary>], iteration_bounds = array<i64: 25>, scalar_prefetch = 0 : i64, scratch_operands = 0 : i64, tpu.core_type = #tpu.core_type<tc>, window_params = [{transform_indices = @transform_0, window_bounds = array<i64: 2048, 3>}, {transform_indices = @transform_1, window_bounds = array<i64: 1, 2048>}, {pipeline_mode = #tpu.pipeline_mode<synchronous>, transform_indices = @transform_2, window_bounds = array<i64: 3, 32>}, {pipeline_mode = #tpu.pipeline_mode<synchronous>, transform_indices = @transform_3, window_bounds = array<i64: 1, 32>}, {transform_indices = @transform_4, window_bounds = array<i64: 32, 2048>}]} {
    %get3A = arith.constant 0 : index
    %get3A_0 = arith.constant 0 : index
    %get3A_1 = vector.load %arg1[%get3A, %get3A_0] : memref<2048x3xf32, #tpu.memory_space<vmem>>, vector<2048x3xf32>
    %get3A_2 = arith.constant 0 : index
    %get3A_3 = arith.constant 0 : index
    %get3A_4 = vector.load %arg3[%get3A_2, %get3A_3] : memref<3x32xf32, #tpu.memory_space<vmem>>, vector<3x32xf32>
    %dot_general3A = arith.constant dense<0.000000e+00> : vector<32x2048xf32>
    %dot_general3A_5 = tpu.matmul %get3A_4, %get3A_1, %dot_general3A {dimension_numbers = #tpu.dot_dimension_numbers<[0], [1], [1], [0], [0, 1, 1, 0], [], []>, transpose_lhs_hint = false} : vector<3x32xf32>, vector<2048x3xf32>, vector<32x2048xf32> -> vector<32x2048xf32>
    %get3A_6 = arith.constant 0 : index
    %get3A_7 = arith.constant 0 : index
    %get3A_8 = vector.load %arg4[%get3A_6, %get3A_7] : memref<1x32xf32, #tpu.memory_space<vmem>>, vector<1x32xf32>
    %slice3A = vector.extract_strided_slice %get3A_8 {offsets = [0, 0], sizes = [1, 1], strides = [1, 1]} : vector<1x32xf32> to vector<1x1xf32>
    %squeeze3A = vector.extract %slice3A[0, 0] : f32 from vector<1x1xf32>
    %slice3A_9 = vector.extract_strided_slice %get3A_8 {offsets = [0, 31], sizes = [1, 1], strides = [1, 1]} : vector<1x32xf32> to vector<1x1xf32>
    %squeeze3A_10 = vector.extract %slice3A_9[0, 0] : f32 from vector<1x1xf32>
    %sub3A = arith.subf %squeeze3A_10, %squeeze3A : f32
    %div3A = arith.constant 3.100000e+01 : f32
    %div3A_11 = arith.divf %sub3A, %div3A : f32
    %sub3A_12 = vector.broadcast %squeeze3A : f32 to vector<32x2048xf32>
    %sub3A_13 = arith.subf %dot_general3A_5, %sub3A_12 : vector<32x2048xf32>
    %div3A_14 = arith.constant 1.000000e+00 : f32
    %div3A_15 = arith.divf %div3A_14, %div3A_11 : f32
    %mul3A = vector.broadcast %div3A_15 : f32 to vector<32x2048xf32>
    %mul3A_16 = arith.mulf %sub3A_13, %mul3A : vector<32x2048xf32>
    %add3A = arith.constant 5.000000e-01 : f32
    %add3A_17 = vector.broadcast %add3A : f32 to vector<32x2048xf32>
    %add3A_18 = arith.addf %mul3A_16, %add3A_17 : vector<32x2048xf32>
    %floor3A = math.floor %add3A_18 : vector<32x2048xf32>
    %jit3A = arith.constant -1.000000e+00 : f32
    %jit3A_19 = arith.constant 3.200000e+01 : f32
    %max3A = vector.broadcast %jit3A : f32 to vector<32x2048xf32>
    %max3A_20 = arith.maximumf %max3A, %floor3A : vector<32x2048xf32>
    %min3A = vector.broadcast %jit3A_19 : f32 to vector<32x2048xf32>
    %min3A_21 = arith.minimumf %min3A, %max3A_20 : vector<32x2048xf32>
    %mul3A_22 = vector.broadcast %div3A_11 : f32 to vector<32x2048xf32>
    %mul3A_23 = arith.mulf %min3A_21, %mul3A_22 : vector<32x2048xf32>
    %add3A_24 = vector.broadcast %squeeze3A : f32 to vector<32x2048xf32>
    %add3A_25 = arith.addf %add3A_24, %mul3A_23 : vector<32x2048xf32>
    %sub3A_26 = arith.subf %add3A_25, %dot_general3A_5 : vector<32x2048xf32>
    %mul3A_27 = arith.constant 5.000000e+02 : f32
    %mul3A_28 = vector.broadcast %mul3A_27 : f32 to vector<32x2048xf32>
    %mul3A_29 = arith.mulf %mul3A_28, %sub3A_26 : vector<32x2048xf32>
    %logistic3A = arith.negf %mul3A_29 : vector<32x2048xf32>
    %logistic3A_30 = math.exp %logistic3A : vector<32x2048xf32>
    %logistic3A_31 = arith.constant 1.000000e+00 : f32
    %logistic3A_32 = vector.broadcast %logistic3A_31 : f32 to vector<32x2048xf32>
    %logistic3A_33 = arith.addf %logistic3A_32, %logistic3A_30 : vector<32x2048xf32>
    %logistic3A_34 = arith.divf %logistic3A_32, %logistic3A_33 : vector<32x2048xf32>
    %jit3A_35 = arith.constant 1.000000e-03 : f32
    %jit3A_36 = arith.constant 9.990000e-01 : f32
    %max3A_37 = vector.broadcast %jit3A_35 : f32 to vector<32x2048xf32>
    %max3A_38 = arith.maximumf %max3A_37, %logistic3A_34 : vector<32x2048xf32>
    %min3A_39 = vector.broadcast %jit3A_36 : f32 to vector<32x2048xf32>
    %min3A_40 = arith.minimumf %min3A_39, %max3A_38 : vector<32x2048xf32>
    %lt3A = arith.constant 0.000000e+00 : f32
    %lt3A_41 = vector.broadcast %lt3A : f32 to vector<32x2048xf32>
    %lt3A_42 = arith.cmpf olt, %min3A_21, %lt3A_41 : vector<32x2048xf32>
    %jit3A_43 = arith.constant 9.990000e-01 : f32
    %broadcast_in_dim3A = vector.broadcast %jit3A_43 : f32 to vector<32x2048xf32>
    %select_n3A = arith.select %lt3A_42, %broadcast_in_dim3A, %min3A_40 : vector<32x2048xi1>, vector<32x2048xf32>
    %max3A_44 = arith.constant 0.000000e+00 : f32
    %max3A_45 = vector.broadcast %max3A_44 : f32 to vector<32x2048xf32>
    %max3A_46 = arith.maximumf %min3A_21, %max3A_45 : vector<32x2048xf32>
    %get3A_47 = arith.constant 0 : index
    %get3A_48 = arith.constant 0 : index
    %get3A_49 = vector.load %arg2[%get3A_47, %get3A_48] : memref<1x2048xi32, #tpu.memory_space<vmem>>, vector<1x2048xi32>
    %get3A_50 = vector.shape_cast %get3A_49 : vector<1x2048xi32> to vector<2048xi32>
    %broadcast_in_dim3A_51 = vector.shape_cast %get3A_50 : vector<2048xi32> to vector<1x2048xi32>
    %convert_element_type3A = arith.sitofp %broadcast_in_dim3A_51 : vector<1x2048xi32> to vector<1x2048xf32>
    %mul3A_52 = arith.constant 3.200000e+01 : f32
    %mul3A_53 = vector.broadcast %mul3A_52 : f32 to vector<1x2048xf32>
    %mul3A_54 = arith.mulf %convert_element_type3A, %mul3A_53 : vector<1x2048xf32>
    %add3A_55 = vector.broadcast %mul3A_54 : vector<1x2048xf32> to vector<32x2048xf32>
    %add3A_56 = arith.addf %add3A_55, %max3A_46 : vector<32x2048xf32>
    %mul3A_57 = arith.constant 2048 : i32
    %mul3A_58 = arith.muli %arg0, %mul3A_57 : i32
    %iota3A = tpu.iota {dimensions = array<i32: 1>} : vector<32x2048xi32>
    %add3A_59 = vector.broadcast %mul3A_58 : i32 to vector<32x2048xi32>
    %add3A_60 = arith.addi %add3A_59, %iota3A : vector<32x2048xi32>
    %ge3A = arith.constant 3.200000e+01 : f32
    %ge3A_61 = vector.broadcast %ge3A : f32 to vector<32x2048xf32>
    %ge3A_62 = arith.cmpf oge, %min3A_21, %ge3A_61 : vector<32x2048xf32>
    %ge3A_63 = arith.constant 50000 : i32
    %ge3A_64 = vector.broadcast %ge3A_63 : i32 to vector<32x2048xi32>
    %ge3A_65 = arith.cmpi sge, %add3A_60, %ge3A_64 : vector<32x2048xi32>
    %or3A = arith.ori %ge3A_62, %ge3A_65 : vector<32x2048xi1>
    %jit3A_66 = arith.constant 1.638400e+04 : f32
    %broadcast_in_dim3A_67 = vector.broadcast %jit3A_66 : f32 to vector<32x2048xf32>
    %select_n3A_68 = arith.select %or3A, %broadcast_in_dim3A_67, %add3A_56 : vector<32x2048xi1>, vector<32x2048xf32>
    %add3A_69 = arith.addf %select_n3A_68, %select_n3A : vector<32x2048xf32>
    %swap3A = arith.constant 0 : index
    %swap3A_70 = arith.constant 0 : index
    %swap3A_71 = vector.load %arg5[%swap3A, %swap3A_70] : memref<32x2048xf32, #tpu.memory_space<vmem>>, vector<32x2048xf32>
    tpu.vector_store %arg5[%swap3A, %swap3A_70], %add3A_69 {strides = array<i32>} : memref<32x2048xf32, #tpu.memory_space<vmem>>, vector<32x2048xf32>,
    return
  }
  func.func @transform_0(%arg0: i32) -> (i32, i32) {
    %c0_i32 = arith.constant 0 : i32
    %c0_i32_0 = arith.constant 0 : i32
    return %arg0, %c0_i32 : i32, i32
  }
  func.func @transform_1(%arg0: i32) -> (i32, i32) {
    %c0_i32 = arith.constant 0 : i32
    %c0_i32_0 = arith.constant 0 : i32
    return %c0_i32, %arg0 : i32, i32
  }
  func.func @transform_2(%arg0: i32) -> (i32, i32) {
    %c0_i32 = arith.constant 0 : i32
    %c0_i32_0 = arith.constant 0 : i32
    %c0_i32_1 = arith.constant 0 : i32
    return %c0_i32, %c0_i32_0 : i32, i32
  }
  func.func @transform_3(%arg0: i32) -> (i32, i32) {
    %c0_i32 = arith.constant 0 : i32
    %c0_i32_0 = arith.constant 0 : i32
    %c0_i32_1 = arith.constant 0 : i32
    return %c0_i32, %c0_i32_0 : i32, i32
  }
  func.func @transform_4(%arg0: i32) -> (i32, i32) {
    %c0_i32 = arith.constant 0 : i32
    %c0_i32_0 = arith.constant 0 : i32
    return %c0_i32, %arg0 : i32, i32
  }
}

</mosaic_0001>

<sc_bundles>
// kernel: kernel.4.cloned.1.call-start
scs
__scs_entry_jumppad:
0x0: {  	(pc) =	sbr.rel $0x88, $3  }
0x1: {  	(tag) =	ssettag $0x0;
	lr =	simm.s32 $0x1  }
0x2: {  	[smem:$0x3F9D] =	sst lr;
	_ =	strace $0xD0000000  }
0x3: {  	_ = 	snop  }
0x4: {  	_ = 	snop  }
0x5: {  	_ = 	snop  }
0x6: {  	_ = 	snop  }
0x7: {  	_ = 	snop  }
__scs_overlays_trampoline_lowered:
0x8: {  	[smem:$0x3FAC] =	sst s0  }
0x9: {  	[smem:$0x3FAD] =	sst s1  }
0xa: {  	[smem:$0x3FAE] =	sst s2  }
0xb: {  	[smem:$0x3FAF] =	sst s3  }
0xc: {  	[smem:$0x3FB0] =	sst s4  }
0xd: {  	[smem:$0x3FB1] =	sst s5  }
0xe: {  	[smem:$0x3FB2] =	sst s6  }
0xf: {  	[smem:$0x3FB3] =	sst s7  }
0x10: {  	[smem:$0x3FB4] =	sst s8  }
0x11: {  	[smem:$0x3FB5] =	sst s9;
	s0 =	simm.s32 @!p0 $0x0  }
0x12: {  	s1 =	sld [smem:$0x3F9B];
	s0 =	simm.s32 @p0 $0x1  }
0x13: {  	[smem:$0x3FB6] =	sst s0;
	s0 =	simm.s32 @!p1 $0x0  }
0x14: {  	s2 =	sld [smem:$0x3F9A];
	s0 =	simm.s32 @p1 $0x1  }
0x15: {  	[smem:$0x3FB7] =	sst s0;
	s0 =	simm.s32 @!p2 $0x0  }
0x16: {  	s3 =	sld [smem:$0x3FDB];
	s0 =	simm.s32 @p2 $0x1  }
0x17: {  	s4 =	simm.s32 $0x1BF5;
	[smem:$0x3FB9] =	sst s0  }
0x18: {  	s0 =	sld [smem:$0x3F9C];
	_ =	swait.ge [sflag:s4], $0x0  }
0x19: {  	s7 =	sld [smem:$0x3F9D]  }
0x1a: {  	s8 =	sadd.s32 $0xFFFFE003, lr  }
0x1b: {  	s9 =	sadd.s32 $0xFFFFFEF7, lr;
	s5 =	simm.s32 $0xFFFFFFFF;
	p2 =	slt.u32 s8, $0xFFFFF086  }
0x1c: {  	p1 =	slt.u32 s9, $0xF7A;
	s5 =	simm.s32 @!p2 $0x0  }
0x1d: {  	s5 =	simm.s32 @p1 $0x1;
	p0 =	seq.s32 s7, s2  }
0x1e: {  	s7 =	smul.u32 @!p0 $0xF7A, s2;
	p2 =	seq.s32 @!p0 s5, $0x0  }
0x1f: {  	s9 =	smul.u32 $0xF7A, s1;
	s8 =	simm.s32 @!p0 $0x1BF5;
	p2 =	por !p2, p0  }
0x20: {  	[sflag:s8] =	ssyncset.s32 @!p0 $0xFFFFF086;
	s6 =	sadd.s32 @!p0 s3, s7;
	s7 =	simm.s32 @!p0 $0x108  }
0x21: {  	s3 =	sadd.s32 s3, s9;
	s6 =	sadd.s32 @!p0 $0x88, s6;
	s7 =	simm.s32 @p2 $0x1082  }
0x22: {  	[simem:s7], [sflag:s8] =	dma.local @!p0 [hbm:s6], $0xF7A  }
0x23: {  	s9 =	sor.u32 $0xD0000000, s2;
	s6 =	simm.s32 $0x108;
	_ =	swait.ge @!p0 [sflag:s8], $0x0  }
0x24: {  	s3 =	sadd.s32 $0x88, s3;
	s6 =	simm.s32 @!p1 $0x1082;
	[sflag:s4] =	ssyncset.s32 $0xFFFFF086  }
0x25: {  	[simem:s6], [sflag:s4] =	dma.local [hbm:s3], $0xF7A  }
0x26: {  	[smem:$0x3F9D] =	sst s1;
	(tag) =	ssettag s2;
	_ =	strace s9  }
0x27: {  	s1 =	sld [smem:$0x3FAD]  }
0x28: {  	s2 =	sld [smem:$0x3FAE]  }
0x29: {  	s4 =	sld [smem:$0x3FB0]  }
0x2a: {  	p0 =	seq.s32 s5, $0x0;
	s5 =	sld [smem:$0x3FB1]  }
0x2b: {  	s6 =	sld [smem:$0x3FB2]  }
0x2c: {  	s7 =	sld [smem:$0x3FB3]  }
0x2d: {  	s3 =	simm.s32 $0x108;
	s8 =	sld [smem:$0x3FB4]  }
0x2e: {  	s3 =	simm.s32 @!p0 $0x1082;
	s9 =	sld [smem:$0x3FB5]  }
0x2f: {  	lr =	sadd.s32 s0, s3;
	s0 =	sld [smem:$0x3FAC]  }
0x30: {  	s3 =	sld [smem:$0x3FAF]  }
0x31: {  	[smem:$0x3FB8] =	sst s10  }
0x32: {  	s10 =	sld [smem:$0x3FB6];
	_ =	sdelay $0x3  }
0x33: {  	p0 =	seq.s32 s10, $0x1;
	s10 =	sld [smem:$0x3FB8];
	_ =	sdelay $0x3  }
0x34: {  	[smem:$0x3FB8] =	sst s10  }
0x35: {  	s10 =	sld [smem:$0x3FB7];
	_ =	sdelay $0x3  }
0x36: {  	p1 =	seq.s32 s10, $0x1;
	s10 =	sld [smem:$0x3FB8];
	_ =	sdelay $0x3  }
0x37: {  	[smem:$0x3FB8] =	sst s10  }
0x38: {  	s10 =	sld [smem:$0x3FB9]  }
0x39: {  	_ = 	snop;
	(pc) =	sbr.ind lr, $3  }
0x3a: {  	_ = 	snop  }
0x3b: {  	_ = 	snop  }
0x3c: {  	p2 =	seq.s32 s10, $0x1;
	s10 =	sld [smem:$0x3FB8]  }
0x3d: {  	_ =	shalt  }
0x3e: {  	_ =	shalt  }
0x3f: {  	_ =	shalt  }
0x40: {  	_ =	shalt  }
0x41: {  	_ =	shalt  }
0x42: {  	_ =	shalt  }
0x43: {  	_ =	shalt  }
0x44: {  	_ =	shalt  }
0x45: {  	_ =	shalt  }
0x46: {  	_ =	shalt  }
0x47: {  	_ =	shalt  }
0x48: {  	_ =	shalt  }
0x49: {  	_ =	shalt  }
0x4a: {  	_ =	shalt  }
0x4b: {  	_ =	shalt  }
0x4c: {  	_ =	shalt  }
0x4d: {  	_ =	shalt  }
0x4e: {  	_ =	shalt  }
0x4f: {  	_ =	shalt  }
0x50: {  	_ =	shalt  }
0x51: {  	_ =	shalt  }
0x52: {  	_ =	shalt  }
0x53: {  	_ =	shalt  }
0x54: {  	_ =	shalt  }
0x55: {  	_ =	shalt  }
0x56: {  	_ =	shalt  }
0x57: {  	_ =	shalt  }
0x58: {  	_ =	shalt  }
0x59: {  	_ =	shalt  }
0x5a: {  	_ =	shalt  }
0x5b: {  	_ =	shalt  }
0x5c: {  	_ =	shalt  }
0x5d: {  	_ =	shalt  }
0x5e: {  	_ =	shalt  }
0x5f: {  	_ =	shalt  }
0x60: {  	_ =	shalt  }
0x61: {  	_ =	shalt  }
0x62: {  	_ =	shalt  }
0x63: {  	_ =	shalt  }
0x64: {  	_ =	shalt  }
0x65: {  	_ =	shalt  }
0x66: {  	_ =	shalt  }
0x67: {  	_ =	shalt  }
0x68: {  	_ =	shalt  }
0x69: {  	_ =	shalt  }
0x6a: {  	_ =	shalt  }
0x6b: {  	_ =	shalt  }
0x6c: {  	_ =	shalt  }
0x6d: {  	_ =	shalt  }
0x6e: {  	_ =	shalt  }
0x6f: {  	_ =	shalt  }
0x70: {  	_ =	shalt  }
0x71: {  	_ =	shalt  }
0x72: {  	_ =	shalt  }
0x73: {  	_ =	shalt  }
0x74: {  	_ =	shalt  }
0x75: {  	_ =	shalt  }
0x76: {  	_ =	shalt  }
0x77: {  	_ =	shalt  }
0x78: {  	_ =	shalt  }
0x79: {  	_ =	shalt  }
0x7a: {  	_ =	shalt  }
0x7b: {  	_ =	shalt  }
0x7c: {  	_ =	shalt  }
0x7d: {  	_ =	shalt  }
0x7e: {  	_ =	shalt  }
0x7f: {  	_ =	shalt  }
0x80: {  	_ =	shalt  }
0x81: {  	_ =	shalt  }
0x82: {  	_ =	shalt  }
0x83: {  	_ =	shalt  }
0x84: {  	_ =	shalt  }
0x85: {  	_ =	shalt  }
0x86: {  	_ =	shalt  }
0x87: {  	_ =	shalt  }
.Lfunc_end0:
.L_simem_size_0:
called_computation_lowered:
.L_overlay_start_0:
0x88: {  	s2 =	sld [smem:$0x3FD9]  }
0x89: {  	s3 =	sld [smem:$0x3FFE];
	_ =	sdelay $0x1  }
0x8a: {  	s1 =	srdreg.scid  }
0x8b: {  	s0 =	sand.u32 $0x1, s1  }
0x8c: {  	s17 =	sshll.u32 s0, $0xA;
	s2 =	sadd.s32 s3, s2  }
0x8d: {  	s2 =	sadd.s32 s2, s17  }
0x8e: {  	[smem:$0x3FC4] =	sst s2  }
0x8f: {  	_ = 	snop  }
0x90: {  	s2 =	sld [smem:$0x3FD0];
	(tm) =	ssettm $0x1  }
0x91: {  	s18 =	sld [smem:$0x3FFB];
	_ =	sdelay $0x3  }
0x92: {  	_ =	strace s18  }
0x93: {  	s3 =	sld [smem:$0x3FFC];
	_ =	sdelay $0x3  }
0x94: {  	_ =	strace s3  }
0x95: {  	s3 =	sld [smem:$0x3FFD];
	_ =	sdelay $0x3  }
0x96: {  	_ =	strace s3  }
0x97: {  	_ =	strace $0x8FFFFFFF  }
0x98: {  	s19 =	sld [smem:$0x3FDB];
	_ =	sdelay $0x1  }
0x99: {  	s4 =	simm.s32 $_scs_section_size  }
0x9a: {  	s5 =	simm.s32 $_size__tile_overlayer_lowered;
	s6 =	simm.s32 $_tile_overlayer_lowered  }
0x9b: {  	s22 =	simm.s32 $0x1BFF;
	s21 =	sshll.u32 s6, $0x1;
	s3 =	sadd.s32 s4, s19  }
0x9c: {  	s7 =	simm.s32 $0x0;
	s20 =	sshll.u32 s5, $0x1;
	s5 =	sadd.s32 s21, s3  }
0x9d: {  	[timem:s7], [sflag:s22] =	dma.local [hbm:s5], s20  }
0x9e: {  	_ =	swait.ge [sflag:s22], s20  }
0x9f: {  	s4 =	ssub.s32 $0x0, s20;
	[sflag:s22] =	ssyncset.done $0x0  }
0xa0: {  	[sflag:s22] =	ssyncadd.s32 s4;
	_ =	sdelay $0x1  }
0xa1: {  	s23 =	simm.s32 $0x1B8B  }
0xa2: {  	_ =	swait.ge [sflag:s23], $0x1  }
0xa3: {  	[sflag:s23] =	ssyncset.done $0x0  }
0xa4: {  	s25 =	simm.s32 $0x1B8E;
	s24 =	sld [smem:$0x3FFE];
	[sflag:s23] =	ssyncadd.s32 $0xFFFFFFFF  }
0xa5: {  	s26 =	simm.s32 $execute0_lowered;
	[smem:$0x3FD2] =	sst s25  }
0xa6: {  	s5 =	sshll.u32 s26, $0x1;
	_ =	strace $0x80000046;
	[dreg:$0x1] =	wrdreg $0xFFFFFFFF  }
0xa7: {  	s28 =	simm.s32 $_size_execute0_lowered;
	s3 =	sadd.s32 s3, s5;
	[dreg:$0x0] =	wrdreg $0x0  }
0xa8: {  	s5 =	sshll.u32 s28, $0x1;
	[dreg:$0x2] =	wrdreg s3  }
0xa9: {  	[dreg:$0x3] =	wrdreg s5  }
0xaa: {  	[dreg:$0x4] =	wrdreg $0xC0  }
0xab: {  	_ =	task [dreg:s7], $0x5FFFF  }
0xac: {  	[dreg:$0x1] =	wrdreg $0xFFFFFFFF  }
0xad: {  	[dreg:$0x0] =	wrdreg $0x60  }
0xae: {  	[dreg:$0x2] =	wrdreg s24  }
0xaf: {  	[dreg:$0x3] =	wrdreg s2  }
0xb0: {  	[dreg:$0x4] =	wrdreg $0x9  }
0xb1: {  	_ =	task.clear_ibuf [dreg:s7], $0x5FFFF;
	_ =	strace $0x90000046  }
0xb2: {  	s29 =	simm.s32 $0x9;
	_ =	strace $0x80000048  }
0xb3: {  	_ =	swait.ge [sflag:s29], $0x1  }
0xb4: {  	[sflag:s29] =	ssyncadd.s32 $0xFFFFFFFF  }
0xb5: {  	_ =	strace $0x90000048  }
0xb6: {  	_ =	sfence  }
0xb7: {  	s30 =	sld [smem:$0x0];
	_ =	sdelay $0x2  }
0xb8: {  	s31 =	sshll.u32 s1, $0xD;
	s1 =	sshrl.u32 s1, $0x2  }
0xb9: {  	s3 =	sand.u32 $0x4000, s31;
	s1 =	sadd.s32 s1, s30  }
0xba: {  	s0 =	sor.u32 s3, s0;
	s1 =	sshll.u32 s1, $0x11  }
0xbb: {  	s0 =	sor.u32 s1, s0  }
0xbc: {  	s0 =	sadd.s32 $0x8F2B, s0  }
0xbd: {  	[sflag:s0] =	ssyncadd.remote.s32 $0x1  }
0xbe: {  	_ =	sfence.sel $0xFFFF  }
0xbf: {  	[dreg:$0x0] =	wrdreg $0xFFFFFFFF;
	(pc) =	sbr.abs _section_cstart, $3  }
0xc0: {  	[dreg:$0x1] =	wrdreg $0xFFFFFFFF  }
0xc1: {  	_ =	task.clear_ibuf [dreg:s7], $0x2FFFF;
	_ =	strace $0x9FFFFFFF  }
0xc2: {  	(tm) =	ssettm $0x7FFFFFFF  }
0xc3: {  	_ =	shalt  }
tec
execute0_lowered:
.L_overlay_start_1:
0x0: {  	(tag) =	ssettag $0x1  }
0x1: {  	s3 =	rddreg [dreg:$0x0];
	s1 =	srdreg.scid  }
0x2: {  	s0 =	stileid.u32;
	s4 =	rddreg [dreg:$0x1]  }
0x3: {  	s2 =	simm.s32 $0x0;
	s8 =	simm.s32 $0xD380;
	s9 =	simm.s32 $0x2  }
0x4: {  	s10 =	simm.s32 $0x0;
	s5 =	sand.u32 $0x1, s1;
	s6 =	sshll.u32 s0, $0x1  }
0x5: {  	s1 =	rddreg [dreg:$0x2];
	s6 =	sor.u32 s5, s6;
	s5 =	ssub.s32 $0x2, s5  }
0x6: {  	[smem:$0x7FF] =	sst s2;
	s7 =	smul.u32 $0x186A, s6;
	s31 =	sshrl.u32 s5, $0x1  }
0x7: {  	_ =	strace $0x80000047;
	s6 =	sshll.u32 s6, $0x9;
	s5 =	ssub.s32 s5, s31  }
0x8: {  	s4 =	sadd.s32 s4, s6;
	s6 =	simm.s32 $0x1;
	s3 =	sadd.s32 s7, s3  }
0x9: {  	v0 =	vimm.f32 $0.0e+00;
	s5 =	smax.u32 s5, $0x1;
	s7 =	simm.s32 $0xC380;
	s3 =	sadd.s32 $0x800, s3  }
.LBB2_1:
0xa: {  	[tilespmem:s2], [sflag:$0x1] =	stream.linear.gather [hbm4b:s3+s2], $0xC350, $0x38;
	[tilespmem:$0xE380] =	vst v63  }
0xb: {  	s11 =	simm.s32 $0x0;
	s12 =	simm.s32 $0x200  }
.LBB2_2:
0xc: {  	p0 =	sne.s32 s12, $0x3E00;
	[tilespmem:s11+$0xC3F0] =	vst v0  }
0xd: {  	[tilespmem:s11+$0xC380] =	vst v0  }
0xe: {  	[tilespmem:s11+$0xC390] =	vst v0  }
.Ltmp0:
0xf: {  	[tilespmem:s11+$0xC3A0] =	vst v0;
	(pc) =	sbr.rel @p0 .LBB2_2-.Ltmp0, $4  }
0x10: {  	[tilespmem:s11+$0xC3B0] =	vst v0  }
0x11: {  	[tilespmem:s11+$0xC3C0] =	vst v0  }
0x12: {  	[tilespmem:s11+$0xC3D0] =	vst v0  }
0x13: {  	[tilespmem:s11+$0xC3E0] =	vst v0;
	s11 =	sshra.s32 s12, $0x2;
	s12 =	sadd.s32 $0x200, s12  }
0x14: {  	[tilespmem:s11+$0xC3F0] =	vst v0  }
0x15: {  	[tilespmem:s11+$0xC380] =	vst v0  }
0x16: {  	[tilespmem:s11+$0xC390] =	vst v0  }
0x17: {  	[tilespmem:s11+$0xC3A0] =	vst v0  }
0x18: {  	[tilespmem:s11+$0xC3B0] =	vst v0  }
0x19: {  	[tilespmem:s11+$0xC3C0] =	vst v0  }
0x1a: {  	[tilespmem:s11+$0xC3D0] =	vst v0  }
0x1b: {  	[tilespmem:s11+$0xC3E0] =	vst v0  }
0x1c: {  	_ =	swait.ge [sflag:s6], $0xC350  }
0x1d: {  	[sflag:s6] =	ssyncset.done $0x0  }
0x1e: {  	s11 =	simm.s32 $0x0;
	s12 =	simm.s32 $0xC0;
	[sflag:s6] =	ssyncadd.s32 $0xFFFF3CB0  }
.LBB2_4:
0x1f: {  	v1 =	vld [tilespmem:s12+$0xFFFFFF40];
	_ =	sdelay $0x4  }
0x20: {  	v2 =	vtrunc.f32 v1  }
0x21: {  	v2 =	vcvt.f32.s32 v2;
	_ =	sdelay $0x1  }
0x22: {  	v3 =	vand.u32 $0x1F, v2  }
0x23: {  	vm0 =	vlt.s32 v2, $0x1000;
	vm1 =	vne.s32 v3, $0x1F  }
0x24: {  	v3 =	vcvt.s32.f32 v2;
	vm1 =	vmand vm0, vm1  }
0x25: {  	v4 =	vadd.s32 $0x1, v2  }
0x26: {  	v1 =	vsub.f32 v1, v3;
	_ =	sdelay $0x1  }
0x27: {  	v3 =	vsub.f32 $1.000000000e+00, v1  }
0x28: {  	[tilespmem:v2+s7+$0x0] =	vst.idx.add.f32.msk vm0, v1  }
0x29: {  	[tilespmem:v4+s7+$0x0] =	vst.idx.add.f32.msk vm1, v3  }
0x2a: {  	v1 =	vld [tilespmem:s12+$0xFFFFFF50];
	_ =	sdelay $0x4  }
0x2b: {  	v2 =	vtrunc.f32 v1  }
0x2c: {  	v2 =	vcvt.f32.s32 v2;
	_ =	sdelay $0x1  }
0x2d: {  	v3 =	vand.u32 $0x1F, v2  }
0x2e: {  	vm4 =	vlt.s32 v2, $0x1000;
	vm5 =	vne.s32 v3, $0x1F  }
0x2f: {  	v3 =	vcvt.s32.f32 v2;
	vm1 =	vmand vm4, vm5  }
0x30: {  	v40 =	vadd.s32 $0x1, v2  }
0x31: {  	v1 =	vsub.f32 v1, v3;
	_ =	sdelay $0x1  }
0x32: {  	v3 =	vsub.f32 $1.000000000e+00, v1  }
0x33: {  	[tilespmem:v2+s7+$0x0] =	vst.idx.add.f32.msk vm4, v1  }
0x34: {  	[tilespmem:v40+s7+$0x0] =	vst.idx.add.f32.msk vm1, v3  }
0x35: {  	v1 =	vld [tilespmem:s12+$0xFFFFFF60];
	_ =	sdelay $0x4  }
0x36: {  	v2 =	vtrunc.f32 v1  }
0x37: {  	v2 =	vcvt.f32.s32 v2;
	_ =	sdelay $0x1  }
0x38: {  	v3 =	vand.u32 $0x1F, v2  }
0x39: {  	vm6 =	vlt.s32 v2, $0x1000;
	vm7 =	vne.s32 v3, $0x1F  }
0x3a: {  	v3 =	vcvt.s32.f32 v2;
	vm1 =	vmand vm6, vm7  }
0x3b: {  	v41 =	vadd.s32 $0x1, v2  }
0x3c: {  	v1 =	vsub.f32 v1, v3;
	_ =	sdelay $0x1  }
0x3d: {  	v3 =	vsub.f32 $1.000000000e+00, v1  }
0x3e: {  	[tilespmem:v2+s7+$0x0] =	vst.idx.add.f32.msk vm6, v1  }
0x3f: {  	[tilespmem:v41+s7+$0x0] =	vst.idx.add.f32.msk vm1, v3  }
0x40: {  	v1 =	vld [tilespmem:s12+$0xFFFFFF70];
	_ =	sdelay $0x4  }
0x41: {  	v2 =	vtrunc.f32 v1  }
0x42: {  	v2 =	vcvt.f32.s32 v2;
	_ =	sdelay $0x1  }
0x43: {  	v3 =	vand.u32 $0x1F, v2  }
0x44: {  	vm8 =	vlt.s32 v2, $0x1000;
	vm9 =	vne.s32 v3, $0x1F  }
0x45: {  	v3 =	vcvt.s32.f32 v2;
	vm1 =	vmand vm8, vm9  }
0x46: {  	v42 =	vadd.s32 $0x1, v2  }
0x47: {  	v1 =	vsub.f32 v1, v3;
	_ =	sdelay $0x1  }
0x48: {  	v3 =	vsub.f32 $1.000000000e+00, v1  }
0x49: {  	[tilespmem:v2+s7+$0x0] =	vst.idx.add.f32.msk vm8, v1  }
0x4a: {  	[tilespmem:v42+s7+$0x0] =	vst.idx.add.f32.msk vm1, v3  }
0x4b: {  	v1 =	vld [tilespmem:s12+$0xFFFFFF80];
	_ =	sdelay $0x4  }
0x4c: {  	v2 =	vtrunc.f32 v1  }
0x4d: {  	v2 =	vcvt.f32.s32 v2;
	_ =	sdelay $0x1  }
0x4e: {  	v3 =	vand.u32 $0x1F, v2  }
0x4f: {  	vm10 =	vlt.s32 v2, $0x1000;
	vm11 =	vne.s32 v3, $0x1F  }
0x50: {  	v3 =	vcvt.s32.f32 v2;
	vm1 =	vmand vm10, vm11  }
0x51: {  	v43 =	vadd.s32 $0x1, v2  }
0x52: {  	v1 =	vsub.f32 v1, v3;
	_ =	sdelay $0x1  }
0x53: {  	v3 =	vsub.f32 $1.000000000e+00, v1  }
0x54: {  	[tilespmem:v2+s7+$0x0] =	vst.idx.add.f32.msk vm10, v1  }
0x55: {  	[tilespmem:v43+s7+$0x0] =	vst.idx.add.f32.msk vm1, v3  }
0x56: {  	v1 =	vld [tilespmem:s12+$0xFFFFFF90];
	_ =	sdelay $0x4  }
0x57: {  	v2 =	vtrunc.f32 v1  }
0x58: {  	v2 =	vcvt.f32.s32 v2;
	_ =	sdelay $0x1  }
0x59: {  	v3 =	vand.u32 $0x1F, v2  }
0x5a: {  	vm12 =	vlt.s32 v2, $0x1000;
	vm13 =	vne.s32 v3, $0x1F  }
0x5b: {  	v3 =	vcvt.s32.f32 v2;
	vm1 =	vmand vm12, vm13  }
0x5c: {  	v44 =	vadd.s32 $0x1, v2  }
0x5d: {  	v1 =	vsub.f32 v1, v3;
	_ =	sdelay $0x1  }
0x5e: {  	v3 =	vsub.f32 $1.000000000e+00, v1  }
0x5f: {  	[tilespmem:v2+s7+$0x0] =	vst.idx.add.f32.msk vm12, v1  }
0x60: {  	[tilespmem:v44+s7+$0x0] =	vst.idx.add.f32.msk vm1, v3  }
0x61: {  	v1 =	vld [tilespmem:s12+$0xFFFFFFA0];
	_ =	sdelay $0x4  }
0x62: {  	v2 =	vtrunc.f32 v1  }
0x63: {  	v2 =	vcvt.f32.s32 v2;
	_ =	sdelay $0x1  }
0x64: {  	v3 =	vand.u32 $0x1F, v2  }
0x65: {  	vm14 =	vlt.s32 v2, $0x1000;
	vm15 =	vne.s32 v3, $0x1F  }
0x66: {  	v3 =	vcvt.s32.f32 v2;
	vm1 =	vmand vm14, vm15  }
0x67: {  	v45 =	vadd.s32 $0x1, v2  }
0x68: {  	v1 =	vsub.f32 v1, v3;
	_ =	sdelay $0x1  }
0x69: {  	v3 =	vsub.f32 $1.000000000e+00, v1  }
0x6a: {  	[tilespmem:v2+s7+$0x0] =	vst.idx.add.f32.msk vm14, v1  }
0x6b: {  	[tilespmem:v45+s7+$0x0] =	vst.idx.add.f32.msk vm1, v3  }
0x6c: {  	v1 =	vld [tilespmem:s12+$0xFFFFFFB0];
	_ =	sdelay $0x4  }
0x6d: {  	v2 =	vtrunc.f32 v1  }
0x6e: {  	v2 =	vcvt.f32.s32 v2;
	_ =	sdelay $0x1  }
0x6f: {  	v3 =	vand.u32 $0x1F, v2  }
0x70: {  	vm4 =	vlt.s32 v2, $0x1000;
	vm5 =	vne.s32 v3, $0x1F  }
0x71: {  	v3 =	vcvt.s32.f32 v2;
	vm1 =	vmand vm4, vm5  }
0x72: {  	v46 =	vadd.s32 $0x1, v2  }
0x73: {  	v1 =	vsub.f32 v1, v3;
	_ =	sdelay $0x1  }
0x74: {  	v3 =	vsub.f32 $1.000000000e+00, v1  }
0x75: {  	[tilespmem:v2+s7+$0x0] =	vst.idx.add.f32.msk vm4, v1  }
0x76: {  	s13 =	sand.u32 $0xFFF0, s11;
	[tilespmem:v46+s7+$0x0] =	vst.idx.add.f32.msk vm1, v3  }
0x77: {  	v1 =	vld [tilespmem:s13+$0x80];
	_ =	sdelay $0x4  }
0x78: {  	v2 =	vtrunc.f32 v1  }
0x79: {  	v2 =	vcvt.f32.s32 v2;
	_ =	sdelay $0x1  }
0x7a: {  	v3 =	vand.u32 $0x1F, v2  }
0x7b: {  	vm6 =	vlt.s32 v2, $0x1000;
	vm7 =	vne.s32 v3, $0x1F  }
0x7c: {  	v3 =	vcvt.s32.f32 v2;
	vm1 =	vmand vm6, vm7  }
0x7d: {  	v47 =	vadd.s32 $0x1, v2  }
0x7e: {  	v1 =	vsub.f32 v1, v3;
	_ =	sdelay $0x1  }
0x7f: {  	v3 =	vsub.f32 $1.000000000e+00, v1  }
0x80: {  	[tilespmem:v2+s7+$0x0] =	vst.idx.add.f32.msk vm6, v1  }
0x81: {  	[tilespmem:v47+s7+$0x0] =	vst.idx.add.f32.msk vm1, v3  }
0x82: {  	v1 =	vld [tilespmem:s12+$0xFFFFFFD0];
	_ =	sdelay $0x4  }
0x83: {  	v2 =	vtrunc.f32 v1  }
0x84: {  	v2 =	vcvt.f32.s32 v2;
	_ =	sdelay $0x1  }
0x85: {  	v3 =	vand.u32 $0x1F, v2  }
0x86: {  	vm8 =	vlt.s32 v2, $0x1000;
	vm9 =	vne.s32 v3, $0x1F  }
0x87: {  	v3 =	vcvt.s32.f32 v2;
	vm1 =	vmand vm8, vm9  }
0x88: {  	v48 =	vadd.s32 $0x1, v2  }
0x89: {  	v1 =	vsub.f32 v1, v3;
	_ =	sdelay $0x1  }
0x8a: {  	v3 =	vsub.f32 $1.000000000e+00, v1  }
0x8b: {  	[tilespmem:v2+s7+$0x0] =	vst.idx.add.f32.msk vm8, v1  }
0x8c: {  	[tilespmem:v48+s7+$0x0] =	vst.idx.add.f32.msk vm1, v3  }
0x8d: {  	v1 =	vld [tilespmem:s12+$0xFFFFFFE0];
	_ =	sdelay $0x4  }
0x8e: {  	v2 =	vtrunc.f32 v1  }
0x8f: {  	v2 =	vcvt.f32.s32 v2;
	_ =	sdelay $0x1  }
0x90: {  	v3 =	vand.u32 $0x1F, v2  }
0x91: {  	vm10 =	vlt.s32 v2, $0x1000;
	vm11 =	vne.s32 v3, $0x1F  }
0x92: {  	v3 =	vcvt.s32.f32 v2;
	vm1 =	vmand vm10, vm11  }
0x93: {  	v49 =	vadd.s32 $0x1, v2  }
0x94: {  	v1 =	vsub.f32 v1, v3;
	_ =	sdelay $0x1  }
0x95: {  	v3 =	vsub.f32 $1.000000000e+00, v1  }
0x96: {  	[tilespmem:v2+s7+$0x0] =	vst.idx.add.f32.msk vm10, v1  }
0x97: {  	[tilespmem:v49+s7+$0x0] =	vst.idx.add.f32.msk vm1, v3  }
0x98: {  	v1 =	vld [tilespmem:s12+$0xFFFFFFF0];
	_ =	sdelay $0x4  }
0x99: {  	v2 =	vtrunc.f32 v1  }
0x9a: {  	v2 =	vcvt.f32.s32 v2;
	_ =	sdelay $0x1  }
0x9b: {  	v3 =	vand.u32 $0x1F, v2  }
0x9c: {  	vm12 =	vlt.s32 v2, $0x1000;
	vm13 =	vne.s32 v3, $0x1F  }
0x9d: {  	v3 =	vcvt.s32.f32 v2;
	vm1 =	vmand vm12, vm13  }
0x9e: {  	v50 =	vadd.s32 $0x1, v2  }
0x9f: {  	v1 =	vsub.f32 v1, v3;
	_ =	sdelay $0x1  }
0xa0: {  	v3 =	vsub.f32 $1.000000000e+00, v1  }
0xa1: {  	[tilespmem:v2+s7+$0x0] =	vst.idx.add.f32.msk vm12, v1  }
0xa2: {  	[tilespmem:v50+s7+$0x0] =	vst.idx.add.f32.msk vm1, v3  }
0xa3: {  	v1 =	vld [tilespmem:s12+$0x0];
	_ =	sdelay $0x4  }
0xa4: {  	v2 =	vtrunc.f32 v1  }
0xa5: {  	v2 =	vcvt.f32.s32 v2;
	_ =	sdelay $0x1  }
0xa6: {  	v3 =	vand.u32 $0x1F, v2  }
0xa7: {  	vm14 =	vlt.s32 v2, $0x1000;
	vm15 =	vne.s32 v3, $0x1F  }
0xa8: {  	v3 =	vcvt.s32.f32 v2;
	vm1 =	vmand vm14, vm15  }
0xa9: {  	v51 =	vadd.s32 $0x1, v2  }
0xaa: {  	v1 =	vsub.f32 v1, v3;
	_ =	sdelay $0x1  }
0xab: {  	v3 =	vsub.f32 $1.000000000e+00, v1  }
0xac: {  	[tilespmem:v2+s7+$0x0] =	vst.idx.add.f32.msk vm14, v1  }
0xad: {  	[tilespmem:v51+s7+$0x0] =	vst.idx.add.f32.msk vm1, v3  }
0xae: {  	v1 =	vld [tilespmem:s12+$0x10];
	_ =	sdelay $0x4  }
0xaf: {  	v2 =	vtrunc.f32 v1  }
0xb0: {  	v2 =	vcvt.f32.s32 v2;
	_ =	sdelay $0x1  }
0xb1: {  	v3 =	vand.u32 $0x1F, v2  }
0xb2: {  	vm4 =	vlt.s32 v2, $0x1000;
	vm5 =	vne.s32 v3, $0x1F  }
0xb3: {  	v3 =	vcvt.s32.f32 v2;
	vm1 =	vmand vm4, vm5  }
0xb4: {  	v52 =	vadd.s32 $0x1, v2  }
0xb5: {  	v1 =	vsub.f32 v1, v3;
	_ =	sdelay $0x1  }
0xb6: {  	v3 =	vsub.f32 $1.000000000e+00, v1  }
0xb7: {  	[tilespmem:v2+s7+$0x0] =	vst.idx.add.f32.msk vm4, v1  }
0xb8: {  	[tilespmem:v52+s7+$0x0] =	vst.idx.add.f32.msk vm1, v3  }
0xb9: {  	v1 =	vld [tilespmem:s12+$0x20];
	_ =	sdelay $0x4  }
0xba: {  	v2 =	vtrunc.f32 v1  }
0xbb: {  	v2 =	vcvt.f32.s32 v2;
	_ =	sdelay $0x1  }
0xbc: {  	v3 =	vand.u32 $0x1F, v2  }
0xbd: {  	vm6 =	vlt.s32 v2, $0x1000;
	vm7 =	vne.s32 v3, $0x1F  }
0xbe: {  	v3 =	vcvt.s32.f32 v2;
	vm1 =	vmand vm6, vm7  }
0xbf: {  	v53 =	vadd.s32 $0x1, v2  }
0xc0: {  	v1 =	vsub.f32 v1, v3;
	_ =	sdelay $0x1  }
0xc1: {  	v3 =	vsub.f32 $1.000000000e+00, v1  }
0xc2: {  	[tilespmem:v2+s7+$0x0] =	vst.idx.add.f32.msk vm6, v1  }
0xc3: {  	[tilespmem:v53+s7+$0x0] =	vst.idx.add.f32.msk vm1, v3  }
0xc4: {  	v1 =	vld [tilespmem:s12+$0x30];
	_ =	sdelay $0x4  }
0xc5: {  	v2 =	vtrunc.f32 v1  }
0xc6: {  	v2 =	vcvt.f32.s32 v2;
	_ =	sdelay $0x1  }
0xc7: {  	v3 =	vand.u32 $0x1F, v2  }
0xc8: {  	vm8 =	vlt.s32 v2, $0x1000;
	vm9 =	vne.s32 v3, $0x1F  }
0xc9: {  	v3 =	vcvt.s32.f32 v2;
	vm1 =	vmand vm8, vm9  }
0xca: {  	v54 =	vadd.s32 $0x1, v2  }
0xcb: {  	v1 =	vsub.f32 v1, v3;
	_ =	sdelay $0x1  }
0xcc: {  	v3 =	vsub.f32 $1.000000000e+00, v1  }
0xcd: {  	[tilespmem:v2+s7+$0x0] =	vst.idx.add.f32.msk vm8, v1  }
0xce: {  	[tilespmem:v54+s7+$0x0] =	vst.idx.add.f32.msk vm1, v3  }
0xcf: {  	v1 =	vld [tilespmem:s13+$0x100];
	_ =	sdelay $0x4  }
0xd0: {  	v2 =	vtrunc.f32 v1  }
0xd1: {  	v2 =	vcvt.f32.s32 v2;
	_ =	sdelay $0x1  }
0xd2: {  	v3 =	vand.u32 $0x1F, v2  }
0xd3: {  	vm10 =	vlt.s32 v2, $0x1000;
	vm11 =	vne.s32 v3, $0x1F  }
0xd4: {  	v3 =	vcvt.s32.f32 v2;
	vm1 =	vmand vm10, vm11  }
0xd5: {  	v55 =	vadd.s32 $0x1, v2  }
0xd6: {  	v1 =	vsub.f32 v1, v3;
	_ =	sdelay $0x1  }
0xd7: {  	v3 =	vsub.f32 $1.000000000e+00, v1  }
0xd8: {  	[tilespmem:v2+s7+$0x0] =	vst.idx.add.f32.msk vm10, v1  }
0xd9: {  	[tilespmem:v55+s7+$0x0] =	vst.idx.add.f32.msk vm1, v3  }
0xda: {  	v1 =	vld [tilespmem:s12+$0x50];
	_ =	sdelay $0x4  }
0xdb: {  	v2 =	vtrunc.f32 v1  }
0xdc: {  	v2 =	vcvt.f32.s32 v2;
	_ =	sdelay $0x1  }
0xdd: {  	v3 =	vand.u32 $0x1F, v2  }
0xde: {  	vm12 =	vlt.s32 v2, $0x1000;
	vm13 =	vne.s32 v3, $0x1F  }
0xdf: {  	v3 =	vcvt.s32.f32 v2;
	vm1 =	vmand vm12, vm13  }
0xe0: {  	v56 =	vadd.s32 $0x1, v2  }
0xe1: {  	v1 =	vsub.f32 v1, v3;
	_ =	sdelay $0x1  }
0xe2: {  	v3 =	vsub.f32 $1.000000000e+00, v1  }
0xe3: {  	[tilespmem:v2+s7+$0x0] =	vst.idx.add.f32.msk vm12, v1  }
0xe4: {  	[tilespmem:v56+s7+$0x0] =	vst.idx.add.f32.msk vm1, v3  }
0xe5: {  	v1 =	vld [tilespmem:s12+$0x60];
	_ =	sdelay $0x4  }
0xe6: {  	v2 =	vtrunc.f32 v1  }
0xe7: {  	v2 =	vcvt.f32.s32 v2;
	_ =	sdelay $0x1  }
0xe8: {  	v3 =	vand.u32 $0x1F, v2  }
0xe9: {  	vm14 =	vlt.s32 v2, $0x1000;
	vm15 =	vne.s32 v3, $0x1F  }
0xea: {  	v3 =	vcvt.s32.f32 v2;
	vm1 =	vmand vm14, vm15  }
0xeb: {  	v57 =	vadd.s32 $0x1, v2  }
0xec: {  	v1 =	vsub.f32 v1, v3;
	_ =	sdelay $0x1  }
0xed: {  	v3 =	vsub.f32 $1.000000000e+00, v1  }
0xee: {  	[tilespmem:v2+s7+$0x0] =	vst.idx.add.f32.msk vm14, v1  }
0xef: {  	[tilespmem:v57+s7+$0x0] =	vst.idx.add.f32.msk vm1, v3  }
0xf0: {  	v1 =	vld [tilespmem:s12+$0x70];
	_ =	sdelay $0x4  }
0xf1: {  	v2 =	vtrunc.f32 v1  }
0xf2: {  	v2 =	vcvt.f32.s32 v2;
	_ =	sdelay $0x1  }
0xf3: {  	v3 =	vand.u32 $0x1F, v2  }
0xf4: {  	vm4 =	vlt.s32 v2, $0x1000;
	vm5 =	vne.s32 v3, $0x1F  }
0xf5: {  	v3 =	vcvt.s32.f32 v2;
	vm1 =	vmand vm4, vm5  }
0xf6: {  	v58 =	vadd.s32 $0x1, v2  }
0xf7: {  	v1 =	vsub.f32 v1, v3;
	_ =	sdelay $0x1  }
0xf8: {  	v3 =	vsub.f32 $1.000000000e+00, v1  }
0xf9: {  	[tilespmem:v2+s7+$0x0] =	vst.idx.add.f32.msk vm4, v1  }
0xfa: {  	[tilespmem:v58+s7+$0x0] =	vst.idx.add.f32.msk vm1, v3  }
0xfb: {  	v1 =	vld [tilespmem:s12+$0x80];
	_ =	sdelay $0x4  }
0xfc: {  	v2 =	vtrunc.f32 v1  }
0xfd: {  	v2 =	vcvt.f32.s32 v2;
	_ =	sdelay $0x1  }
0xfe: {  	v3 =	vand.u32 $0x1F, v2  }
0xff: {  	vm6 =	vlt.s32 v2, $0x1000;
	vm7 =	vne.s32 v3, $0x1F  }
0x100: {  	v3 =	vcvt.s32.f32 v2;
	vm1 =	vmand vm6, vm7  }
0x101: {  	v59 =	vadd.s32 $0x1, v2  }
0x102: {  	v1 =	vsub.f32 v1, v3;
	_ =	sdelay $0x1  }
0x103: {  	v3 =	vsub.f32 $1.000000000e+00, v1  }
0x104: {  	[tilespmem:v2+s7+$0x0] =	vst.idx.add.f32.msk vm6, v1  }
0x105: {  	[tilespmem:v59+s7+$0x0] =	vst.idx.add.f32.msk vm1, v3  }
0x106: {  	v1 =	vld [tilespmem:s12+$0x90];
	_ =	sdelay $0x4  }
0x107: {  	v2 =	vtrunc.f32 v1  }
0x108: {  	v2 =	vcvt.f32.s32 v2;
	_ =	sdelay $0x1  }
0x109: {  	v3 =	vand.u32 $0x1F, v2  }
0x10a: {  	vm8 =	vlt.s32 v2, $0x1000;
	vm9 =	vne.s32 v3, $0x1F  }
0x10b: {  	v3 =	vcvt.s32.f32 v2;
	vm1 =	vmand vm8, vm9  }
0x10c: {  	v60 =	vadd.s32 $0x1, v2  }
0x10d: {  	v1 =	vsub.f32 v1, v3;
	_ =	sdelay $0x1  }
0x10e: {  	v3 =	vsub.f32 $1.000000000e+00, v1  }
0x10f: {  	[tilespmem:v2+s7+$0x0] =	vst.idx.add.f32.msk vm8, v1  }
0x110: {  	[tilespmem:v60+s7+$0x0] =	vst.idx.add.f32.msk vm1, v3  }
0x111: {  	v1 =	vld [tilespmem:s12+$0xA0];
	_ =	sdelay $0x4  }
0x112: {  	v2 =	vtrunc.f32 v1  }
0x113: {  	v2 =	vcvt.f32.s32 v2;
	_ =	sdelay $0x1  }
0x114: {  	v3 =	vand.u32 $0x1F, v2  }
0x115: {  	vm10 =	vlt.s32 v2, $0x1000;
	vm11 =	vne.s32 v3, $0x1F  }
0x116: {  	v3 =	vcvt.s32.f32 v2;
	vm1 =	vmand vm10, vm11  }
0x117: {  	v61 =	vadd.s32 $0x1, v2  }
0x118: {  	v1 =	vsub.f32 v1, v3;
	_ =	sdelay $0x1  }
0x119: {  	v3 =	vsub.f32 $1.000000000e+00, v1  }
0x11a: {  	[tilespmem:v2+s7+$0x0] =	vst.idx.add.f32.msk vm10, v1  }
0x11b: {  	[tilespmem:v61+s7+$0x0] =	vst.idx.add.f32.msk vm1, v3  }
0x11c: {  	v1 =	vld [tilespmem:s12+$0xB0];
	_ =	sdelay $0x4  }
0x11d: {  	v2 =	vtrunc.f32 v1  }
0x11e: {  	v2 =	vcvt.f32.s32 v2;
	_ =	sdelay $0x1  }
0x11f: {  	v3 =	vand.u32 $0x1F, v2  }
0x120: {  	vm12 =	vlt.s32 v2, $0x1000;
	vm13 =	vne.s32 v3, $0x1F  }
0x121: {  	v3 =	vcvt.s32.f32 v2;
	vm1 =	vmand vm12, vm13  }
0x122: {  	v62 =	vadd.s32 $0x1, v2  }
0x123: {  	v1 =	vsub.f32 v1, v3;
	_ =	sdelay $0x1  }
0x124: {  	v3 =	vsub.f32 $1.000000000e+00, v1  }
0x125: {  	[tilespmem:v2+s7+$0x0] =	vst.idx.add.f32.msk vm12, v1  }
0x126: {  	[tilespmem:v62+s7+$0x0] =	vst.idx.add.f32.msk vm1, v3  }
0x127: {  	v1 =	vld [tilespmem:s13+$0x180];
	_ =	sdelay $0x4  }
0x128: {  	v2 =	vtrunc.f32 v1  }
0x129: {  	v2 =	vcvt.f32.s32 v2;
	_ =	sdelay $0x1  }
0x12a: {  	v3 =	vand.u32 $0x1F, v2  }
0x12b: {  	vm14 =	vlt.s32 v2, $0x1000;
	vm15 =	vne.s32 v3, $0x1F  }
0x12c: {  	v3 =	vcvt.s32.f32 v2;
	vm1 =	vmand vm14, vm15  }
0x12d: {  	p0 =	sne.s32 s11, $0xC1C0;
	v63 =	vadd.s32 $0x1, v2  }
.Ltmp1:
0x12e: {  	v1 =	vsub.f32 v1, v3;
	(pc) =	sbr.rel @p0 .LBB2_4-.Ltmp1, $4  }
0x12f: {  	_ = 	snop  }
0x130: {  	v3 =	vsub.f32 $1.000000000e+00, v1  }
0x131: {  	[tilespmem:v2+s7+$0x0] =	vst.idx.add.f32.msk vm14, v1  }
0x132: {  	s11 =	sadd.s32 $0x190, s11;
	s12 =	sadd.s32 $0x190, s12;
	[tilespmem:v63+s7+$0x0] =	vst.idx.add.f32.msk vm1, v3  }
0x133: {  	s12 =	simm.s32 $0x0  }
0x134: {  	v1 =	vld [tilespmem:s12+$0xC390];
	_ =	sdelay $0x1  }
0x135: {  	v2 =	vld [tilespmem:s12+$0xC380];
	_ =	sdelay $0x2  }
0x136: {  	(xrf2) =	vadd.scan.msk.f32 $0xffff, v1  }
0x137: {  	s11 =	simm.s32 $0x20  }
0x138: {  	v3 =	vld [tilespmem:s11+$0xC390];
	(xrf2) =	vadd.scan.msk.f32 $0xffff, v2;
	_ =	sdelay $0x2  }
0x139: {  	v1 =	vld [tilespmem:s11+$0xC380]  }
0x13a: {  	s14 =	simm.s32 $0x40  }
0x13b: {  	(xrf2) =	vadd.scan.msk.f32 $0xffff, v3;
	v3 =	vld [tilespmem:s14+$0xC390]  }
0x13c: {  	v4 =	vld [tilespmem:s14+$0xC380];
	_ =	sdelay $0x1  }
0x13d: {  	v5, _, _ =	vpop (xrf2);
	(xrf2) =	vadd.scan.msk.f32 $0xffff, v1;
	_ =	sdelay $0x1  }
0x13e: {  	v6, _, _ =	vpop (xrf2);
	(xrf2) =	vadd.scan.msk.f32 $0xffff, v3  }
0x13f: {  	s13 =	simm.s32 $0x60;
	(xrf2) =	vadd.scan.msk.f32 $0xffff, v4  }
0x140: {  	v2 =	vld [tilespmem:s13+$0xC390]  }
0x141: {  	v7 =	vbroadcast v6, $0xF  }
0x142: {  	[tilespmem:s12+$0xD380] =	vst v6  }
0x143: {  	s15 =	simm.s32 $0x200;
	v1, _, _ =	vpop (xrf2);
	v3 =	vld [tilespmem:s13+$0xC380];
	v4 =	vadd.f32 v7, v5  }
.LBB2_6:
0x144: {  	s16 =	sshra.s32 s15, $0x2;
	p0 =	sne.s32 s15, $0x3F80  }
.Ltmp2:
0x145: {  	(xrf2) =	vadd.scan.msk.f32 $0xffff, v2;
	[tilespmem:s12+$0xD390] =	vst v4;
	s12 =	smov.u32 s11;
	s11 =	smov.u32 s14;
	(pc) =	sbr.rel @p0 .LBB2_6-.Ltmp2, $4  }
0x146: {  	s14 =	smov.u32 s13;
	s13 =	smov.u32 s16;
	v2 =	vld [tilespmem:s16+$0xC390];
	v4, _, _ =	vpop (xrf2)  }
0x147: {  	v5 =	vbroadcast v4, $0xF;
	[tilespmem:s12+$0xD380] =	vst v4  }
0x148: {  	s15 =	sadd.s32 $0x80, s15;
	(xrf2) =	vadd.scan.msk.f32 $0xffff, v3  }
0x149: {  	v3 =	vld [tilespmem:s13+$0xC380];
	v4 =	vadd.f32 v5, v1;
	v1, _, _ =	vpop (xrf2)  }
0x14a: {  	_ =	sdelay $0x2  }
0x14b: {  	(xrf2) =	vadd.scan.msk.f32 $0xffff, v2  }
0x14c: {  	(xrf2) =	vadd.scan.msk.f32 $0xffff, v3;
	_ =	sdelay $0x5  }
0x14d: {  	v2, _, _ =	vpop (xrf2)  }
0x14e: {  	v3 =	vbroadcast v2, $0xF;
	v5, _, _ =	vpop (xrf2)  }
0x14f: {  	v6, _, _ =	vpop (xrf2)  }
0x150: {  	[tilespmem:s12+$0xD390] =	vst v4;
	v1 =	vadd.f32 v3, v1;
	v3 =	vbroadcast v6, $0xF;
	v63, _, _ =	vpop (xrf2)  }
0x151: {  	[tilespmem:s11+$0xD380] =	vst v2;
	v2, _, _ =	vpop (xrf2)  }
0x152: {  	[tilespmem:s11+$0xD390] =	vst v1;
	v1 =	vadd.f32 v3, v5;
	v3 =	vbroadcast v2, $0xF  }
0x153: {  	[tilespmem:s14+$0xD380] =	vst v6  }
0x154: {  	s10 =	sadd.s32 $0x1, s10;
	[tilespmem:s14+$0xD390] =	vst v1;
	v1 =	vadd.f32 v3, v63  }
0x155: {  	p0 =	sne.s32 s10, s5;
	[tilespmem:s13+$0xD380] =	vst v2  }
.Ltmp3:
0x156: {  	[tilespmem:s13+$0xD390] =	vst v1;
	(pc) =	sbr.rel @p0 .LBB2_1-.Ltmp3, $4  }
0x157: {  	[hbm4b:s4+s2] =	stream.linear.scatter [tilespmem:s8], [sflag:$0x2], $0x1000, $0x38;
	[tilespmem:$0xE380] =	vst v63  }
0x158: {  	_ =	swait.ge [sflag:s9], $0x1000  }
0x159: {  	[sflag:s9] =	ssyncset.done $0x0  }
0x15a: {  	[sflag:s9] =	ssyncadd.s32 $0xFFFFF000  }
0x15b: {  	_ =	sfence.sel $0x180000  }
0x15c: {  	[bflag:$0x0] =	sbarrier.arrive $0xFFFF  }
0x15d: {  	p0 =	sne.s32 s0, $0x0;
	_ =	strace $0x90000047  }
0x15e: {  	s0 =	sadd.s32 @!p0 $0x100000, s1;
	[bflag:$0x2] =	sbarrier.arrive $0xFFFF  }
0x15f: {  	[sflag:s0] =	ssyncadd.tile.s32 @!p0 $0x1;
	_ =	shalt  }
.Lfunc_end2:
_tile_overlayer_lowered:
.L_overlay_start_2:
0x160: {  	(tag) =	ssettag $0x2  }
0x161: {  	s0 =	rddreg [dreg:$0x0];
	s2 =	stileid.u32  }
0x162: {  	s1 =	rddreg [dreg:$0x1];
	p0 =	sne.s32 s2, $0x0  }
0x163: {  	s3 =	rddreg [dreg:$0x2];
	[bflag:$0x3] =	sbarrier.arrive $0xFFFF;
	s2 =	simm.s32 @!p0 $0x1C02  }
0x164: {  	[timem:s3], [sflag:s2] =	dma.local @!p0 [hbm:s0], s1  }
0x165: {  	s0 =	simm.s32 @!p0 $0x2  }
0x166: {  	_ =	swait.ge @!p0 [sflag:s0], s1  }
0x167: {  	s1 =	ssub.s32 @!p0 $0x0, s1;
	[sflag:s0] =	ssyncset.done @!p0 $0x0  }
0x168: {  	[sflag:s0] =	ssyncadd.s32 @!p0 s1  }
0x169: {  	[bflag:$0x3] =	sbarrier.arrive $0xFFFF  }
0x16a: {  	_ =	shalt  }

</sc_bundles>
